<compile_context>
chip_gen: v7x
topology: tpu7x:2x2x1
jax: 0.10.2.dev20260603
libtpu: 0.0.44.dev20260713+nightly
codegen_flags: <defaults>
</compile_context>

<pallas_src>
import jax
import jax.numpy as jnp
from jax import lax
from jax.experimental import pallas as pl
from jax.experimental.pallas import tpu as pltpu
from jax.experimental.pallas import tpu_sc as plsc

_X_PER_W = 12 * 384
_OUT_PER_W = 512
def _take16(v, idx):
    return v.at[idx].get(mode="promise_in_bounds")


def _sc_body(x_hbm, w_hbm, out_hbm, x_v, w_v, out_v):
    wid = lax.axis_index("s") * 2 + lax.axis_index("c")
    pltpu.sync_copy(x_hbm.at[pl.ds(wid * _X_PER_W, _X_PER_W)], x_v)
    pltpu.sync_copy(w_hbm, w_v)

    lane = lax.iota(jnp.int32, 16)
    wsp = [w_v[k] for k in range(9)]

    wc = []
    for s in range(3):
        c3 = (lane + 16 * s) % 3
        wc.append([
            jnp.where(c3 == 0, wsp[3 * i],
                      jnp.where(c3 == 1, wsp[3 * i + 1], wsp[3 * i + 2]))
            for i in range(3)
        ])

    pj, m0, m1 = [], [], []
    for j in range(3):
        l3 = lane * 3 + j
        pj.append(l3 % 16)
        m0.append(l3 < 16)
        m1.append(l3 < 32)

    def row_body(wl, carry):
        for hc in range(8):
            u = []
            for s in range(3):
                col = hc * 48 + 16 * s
                acc = None
                for i in range(3):
                    src = x_v[pl.ds((wl * 3 + i) * 384 + col, 16)]
                    term = wc[s][i] * src
                    acc = term if acc is None else acc + term
                u.append(acc)
            y = None
            for j in range(3):
                ga = _take16(u[0], pj[j])
                gb = _take16(u[1], pj[j])
                gc = _take16(u[2], pj[j])
                ph = jnp.where(m0[j], ga, jnp.where(m1[j], gb, gc))
                y = ph if y is None else y + ph
            out_v[pl.ds(wl * 128 + hc * 16, 16)] = y
        return carry

    lax.fori_loop(0, 4, row_body, 0)
    pltpu.sync_copy(out_v, out_hbm.at[pl.ds(wid * _OUT_PER_W, _OUT_PER_W)])


_sc_conv = pl.kernel(
    _sc_body,
    out_type=jax.ShapeDtypeStruct((16384,), jnp.float32),
    mesh=plsc.VectorSubcoreMesh(core_axis_name="c", subcore_axis_name="s"),
    scratch_types=[
        pltpu.VMEM((_X_PER_W,), jnp.float32),
        pltpu.VMEM((9, 16), jnp.float32),
        pltpu.VMEM((_OUT_PER_W,), jnp.float32),
    ],
)


def kernel(x, weight):
    wneg = jnp.broadcast_to(-weight.reshape(9, 1), (9, 16)).astype(jnp.float32)
    return _sc_conv(x.reshape(-1), wneg)

# --- scband reference (transcript-rebuilt; emitter-appended) ---
"""Pipeline reference for scband-conv3x3-72516227826027 (READ-ONLY COPY).

The authoritative reference and input builder live on the scoring server;
editing this copy changes nothing except your own understanding.
"""

import jax, jax.numpy as jnp
import numpy as np

C_BASE = 1e-14
N_BITS = 4
C_RATIO = 100 * (2 ** N_BITS - 1)
DUMF = 0.0
FILTER_W = 3
FILTER_H = 3
FILTER_LEN = 9
INIT_C1_SCALED = 0.924458
_PHI1_ARR = jnp.array([1.0, 0.0] * FILTER_LEN)
_PHI2_ARR = jnp.array([0.0, 1.0] * FILTER_LEN)


def arr_fn(i, arr):
    return arr[i]


def cap_fn(i, bits_arr):
    # capacitance code from the 4-bit row of the padded weight array
    return jnp.sum(bits_arr[i] * (2.0 ** jnp.arange(N_BITS)))


def ode_fn(t, q, args, fargs):
    # switched-capacitor charge update: phase1 samples charge onto c1*code,
    # phase2 transfers the sampled charge onto the integration cap (q[0]).
    c2, c1 = args[0], args[3]
    cap_fn_attr, vin, phi1, phi2 = fargs
    c_code = cap_fn_attr(t)
    v = vin(t)
    p1 = phi1(t)
    p2 = phi2(t)
    q0_new = q[0] + p2 * q[1]
    q1_new = p1 * (c1 * c_code * v)
    return jnp.stack([q0_new, q1_new])


def _forward(x, weight):
    weight_flatten = weight.flatten()
    padded_weight = jnp.zeros((FILTER_LEN, N_BITS)).at[:, 0].set(weight_flatten)
    c1_scaled = INIT_C1_SCALED
    c_base = C_BASE
    c_ratio = C_RATIO
    width, height = x.shape
    n_conv_w = width // FILTER_W
    n_conv_h = height // FILTER_H
    conv_out = jnp.zeros((n_conv_w, n_conv_h))
    bit_arr_repeat = jnp.repeat(padded_weight, 2, axis=0)

    def cap_fn_attr(i):
        return cap_fn(i, bit_arr_repeat)

    c1 = c1_scaled * c_base
    c2 = c1 * c_ratio
    args = [c2, DUMF, c1 / 100, c1, 0, 0, 0, DUMF, DUMF, DUMF, DUMF, DUMF]
    n_iter = 2 * FILTER_LEN

    def phi1(i):
        return arr_fn(i, _PHI1_ARR)

    def phi2(i):
        return arr_fn(i, _PHI2_ARR)

    def conv_body_fn(idx, val):
        w = idx // n_conv_w
        h = idx % n_conv_h
        x_slice = jax.lax.dynamic_slice(x, (FILTER_W * w, FILTER_H * h), (FILTER_W, FILTER_H)).flatten()
        x_slice_repeated = jnp.repeat(x_slice, 2)

        def vin(i):
            return arr_fn(i, x_slice_repeated)

        fargs = [cap_fn_attr, vin, phi1, phi2]
        charge_trace = jnp.zeros((n_iter + 1, 2))
        for i in range(1, n_iter + 1):
            charge_trace = charge_trace.at[i].set(ode_fn(i - 1, charge_trace[i - 1], args, fargs))
        readout = charge_trace[-1, 0]
        voltage = readout / c2 * c_ratio
        val = val.at[w, h].set(-voltage)
        return val

    conv_out = jax.lax.fori_loop(0, n_conv_w * n_conv_h, conv_body_fn, conv_out)
    return conv_out.flatten()


def setup_inputs(seed: int = 0):
    key = jax.random.key(seed)
    k1, k2 = jax.random.split(key)
    x = jax.random.normal(k1, (384, 384), dtype=jnp.float32)
    weight = jax.random.normal(k2, (3, 3), dtype=jnp.float32)
    return {"x": x, "weight": weight}


def reference(x, weight):
    return _forward(x, weight)

if __name__ == "__main__":
    import jax
    _d = setup_inputs()
    print(jax.jit(kernel)(*tuple(_d.values())))

</pallas_src>

<mosaic_0001>
#map = affine_map<(d0, d1) -> (0)>
#map1 = affine_map<(d0, d1) -> (0, 0)>
module attributes {stable_mosaic.version = 14 : i64} {
  func.func @_sc_body(%arg0: i32, %arg1: i32, %arg2: memref<147456xf32, #tpu.memory_space<hbm>>, %arg3: memref<9x16xf32, #tpu.memory_space<hbm>>, %arg4: memref<16384xf32, #tpu.memory_space<hbm>>, %arg5: memref<4608xf32, #tpu.memory_space<vmem>>, %arg6: memref<9x16xf32, #tpu.memory_space<vmem>>, %arg7: memref<512xf32, #tpu.memory_space<vmem>>) attributes {dimension_semantics = [#tpu.dimension_semantics<core_parallel>, #tpu.dimension_semantics<subcore_parallel>], iteration_bounds = array<i64: 2, 16>, scalar_prefetch = 0 : i64, scratch_operands = 3 : i64, tpu.core_type = #tpu.core_type<sc_vector_subcore>, window_params = [{transform_indices = #map}, {transform_indices = #map1}, {transform_indices = #map}]} {
    %mul3A = arith.constant 2 : i32
    %mul3A_0 = arith.muli %arg1, %mul3A : i32
    %add3A = arith.addi %mul3A_0, %arg0 : i32
    %mul3A_1 = arith.constant 4608 : i32
    %mul3A_2 = arith.muli %add3A, %mul3A_1 : i32
    "tpu.region"() ({
      %run_scoped3A = tpu.sem_alloc : memref<!tpu.dma_semaphore, #tpu.memory_space<semaphore_mem>>
      %dma_start3A = tpu.memref_slice %arg2[%mul3A_2] : memref<147456xf32, #tpu.memory_space<hbm>> -> memref<4608xf32, #tpu.memory_space<hbm>>
      %dma_start3A_296 = tpu.memref_slice %arg2[%mul3A_2] : memref<147456xf32, #tpu.memory_space<hbm>> -> memref<4608xf32, #tpu.memory_space<hbm>>
      tpu.enqueue_dma source(%dma_start3A_296 : memref<4608xf32, #tpu.memory_space<hbm>>) target(%arg5 : memref<4608xf32, #tpu.memory_space<vmem>>) target_semaphore(%run_scoped3A : memref<!tpu.dma_semaphore, #tpu.memory_space<semaphore_mem>>)
      %dma_wait3A = tpu.memref_slice %arg2[%mul3A_2] : memref<147456xf32, #tpu.memory_space<hbm>> -> memref<4608xf32, #tpu.memory_space<hbm>>
      %dma_wait3A_297 = tpu.memref_slice %arg2[%mul3A_2] : memref<147456xf32, #tpu.memory_space<hbm>> -> memref<4608xf32, #tpu.memory_space<hbm>>
      tpu.wait_dma2 semaphore(%run_scoped3A : memref<!tpu.dma_semaphore, #tpu.memory_space<semaphore_mem>>) src(%dma_wait3A_297 : memref<4608xf32, #tpu.memory_space<hbm>>) dst(%arg5 : memref<4608xf32, #tpu.memory_space<vmem>>)
      tpu.yield
    }) : () -> ()
    "tpu.region"() ({
      %run_scoped3A = tpu.sem_alloc : memref<!tpu.dma_semaphore, #tpu.memory_space<semaphore_mem>>
      tpu.enqueue_dma source(%arg3 : memref<9x16xf32, #tpu.memory_space<hbm>>) target(%arg6 : memref<9x16xf32, #tpu.memory_space<vmem>>) target_semaphore(%run_scoped3A : memref<!tpu.dma_semaphore, #tpu.memory_space<semaphore_mem>>)
      tpu.wait_dma2 semaphore(%run_scoped3A : memref<!tpu.dma_semaphore, #tpu.memory_space<semaphore_mem>>) src(%arg3 : memref<9x16xf32, #tpu.memory_space<hbm>>) dst(%arg6 : memref<9x16xf32, #tpu.memory_space<vmem>>)
      tpu.yield
    }) : () -> ()
    %iota3A = tpu.iota {dimensions = array<i32: 0>} : vector<16xi32>
    %get3A = arith.constant 0 : i32
    %get3A_3 = arith.index_cast %get3A : i32 to index
    %get3A_4 = arith.constant 0 : index
    %get3A_5 = tpu.vector_load %arg6[%get3A_3, %get3A_4] {strides = array<i32>} : memref<9x16xf32, #tpu.memory_space<vmem>>, vector<1x16xf32>,
    %get3A_6 = vector.shape_cast %get3A_5 : vector<1x16xf32> to vector<16xf32>
    %get3A_7 = arith.constant 1 : i32
    %get3A_8 = arith.index_cast %get3A_7 : i32 to index
    %get3A_9 = arith.constant 0 : index
    %get3A_10 = tpu.vector_load %arg6[%get3A_8, %get3A_9] {strides = array<i32>} : memref<9x16xf32, #tpu.memory_space<vmem>>, vector<1x16xf32>,
    %get3A_11 = vector.shape_cast %get3A_10 : vector<1x16xf32> to vector<16xf32>
    %get3A_12 = arith.constant 2 : i32
    %get3A_13 = arith.index_cast %get3A_12 : i32 to index
    %get3A_14 = arith.constant 0 : index
    %get3A_15 = tpu.vector_load %arg6[%get3A_13, %get3A_14] {strides = array<i32>} : memref<9x16xf32, #tpu.memory_space<vmem>>, vector<1x16xf32>,
    %get3A_16 = vector.shape_cast %get3A_15 : vector<1x16xf32> to vector<16xf32>
    %get3A_17 = arith.constant 3 : i32
    %get3A_18 = arith.index_cast %get3A_17 : i32 to index
    %get3A_19 = arith.constant 0 : index
    %get3A_20 = tpu.vector_load %arg6[%get3A_18, %get3A_19] {strides = array<i32>} : memref<9x16xf32, #tpu.memory_space<vmem>>, vector<1x16xf32>,
    %get3A_21 = vector.shape_cast %get3A_20 : vector<1x16xf32> to vector<16xf32>
    %get3A_22 = arith.constant 4 : i32
    %get3A_23 = arith.index_cast %get3A_22 : i32 to index
    %get3A_24 = arith.constant 0 : index
    %get3A_25 = tpu.vector_load %arg6[%get3A_23, %get3A_24] {strides = array<i32>} : memref<9x16xf32, #tpu.memory_space<vmem>>, vector<1x16xf32>,
    %get3A_26 = vector.shape_cast %get3A_25 : vector<1x16xf32> to vector<16xf32>
    %get3A_27 = arith.constant 5 : i32
    %get3A_28 = arith.index_cast %get3A_27 : i32 to index
    %get3A_29 = arith.constant 0 : index
    %get3A_30 = tpu.vector_load %arg6[%get3A_28, %get3A_29] {strides = array<i32>} : memref<9x16xf32, #tpu.memory_space<vmem>>, vector<1x16xf32>,
    %get3A_31 = vector.shape_cast %get3A_30 : vector<1x16xf32> to vector<16xf32>
    %get3A_32 = arith.constant 6 : i32
    %get3A_33 = arith.index_cast %get3A_32 : i32 to index
    %get3A_34 = arith.constant 0 : index
    %get3A_35 = tpu.vector_load %arg6[%get3A_33, %get3A_34] {strides = array<i32>} : memref<9x16xf32, #tpu.memory_space<vmem>>, vector<1x16xf32>,
    %get3A_36 = vector.shape_cast %get3A_35 : vector<1x16xf32> to vector<16xf32>
    %get3A_37 = arith.constant 7 : i32
    %get3A_38 = arith.index_cast %get3A_37 : i32 to index
    %get3A_39 = arith.constant 0 : index
    %get3A_40 = tpu.vector_load %arg6[%get3A_38, %get3A_39] {strides = array<i32>} : memref<9x16xf32, #tpu.memory_space<vmem>>, vector<1x16xf32>,
    %get3A_41 = vector.shape_cast %get3A_40 : vector<1x16xf32> to vector<16xf32>
    %get3A_42 = arith.constant 8 : i32
    %get3A_43 = arith.index_cast %get3A_42 : i32 to index
    %get3A_44 = arith.constant 0 : index
    %get3A_45 = tpu.vector_load %arg6[%get3A_43, %get3A_44] {strides = array<i32>} : memref<9x16xf32, #tpu.memory_space<vmem>>, vector<1x16xf32>,
    %get3A_46 = vector.shape_cast %get3A_45 : vector<1x16xf32> to vector<16xf32>
    %add3A_47 = arith.constant 0 : i32
    %add3A_48 = vector.broadcast %add3A_47 : i32 to vector<16xi32>
    %add3A_49 = arith.addi %iota3A, %add3A_48 : vector<16xi32>
    %jit3A = arith.constant 3 : i32
    %eq3A = arith.constant 0 : i32
    %eq3A_50 = arith.cmpi eq, %jit3A, %eq3A : i32
    %jit3A_51 = arith.constant 1 : i32
    %select_n3A = arith.select %eq3A_50, %jit3A_51, %jit3A : i32
    %rem3A = vector.broadcast %select_n3A : i32 to vector<16xi32>
    %rem3A_52 = arith.remsi %add3A_49, %rem3A : vector<16xi32>
    %ne3A = arith.constant 0 : i32
    %ne3A_53 = vector.broadcast %ne3A : i32 to vector<16xi32>
    %ne3A_54 = arith.cmpi ne, %rem3A_52, %ne3A_53 : vector<16xi32>
    %lt3A = arith.constant 0 : i32
    %lt3A_55 = vector.broadcast %lt3A : i32 to vector<16xi32>
    %lt3A_56 = arith.cmpi slt, %rem3A_52, %lt3A_55 : vector<16xi32>
    %lt3A_57 = arith.constant 0 : i32
    %lt3A_58 = arith.cmpi slt, %select_n3A, %lt3A_57 : i32
    %ne3A_59 = vector.broadcast %lt3A_58 : i1 to vector<16xi1>
    %ne3A_60 = vector.broadcast %ne3A_59 : vector<16xi1> to vector<16xi1>
    %ne3A_61 = arith.xori %lt3A_56, %ne3A_60 : vector<16xi1>
    %and3A = arith.andi %ne3A_61, %ne3A_54 : vector<16xi1>
    %add3A_62 = vector.broadcast %select_n3A : i32 to vector<16xi32>
    %add3A_63 = arith.addi %rem3A_52, %add3A_62 : vector<16xi32>
    %select_n3A_64 = arith.select %and3A, %add3A_63, %rem3A_52 : vector<16xi1>, vector<16xi32>
    %eq3A_65 = arith.constant 0 : i32
    %eq3A_66 = vector.broadcast %eq3A_65 : i32 to vector<16xi32>
    %eq3A_67 = arith.cmpi eq, %select_n3A_64, %eq3A_66 : vector<16xi32>
    %eq3A_68 = arith.constant 1 : i32
    %eq3A_69 = vector.broadcast %eq3A_68 : i32 to vector<16xi32>
    %eq3A_70 = arith.cmpi eq, %select_n3A_64, %eq3A_69 : vector<16xi32>
    %select_n3A_71 = arith.select %eq3A_70, %get3A_11, %get3A_16 : vector<16xi1>, vector<16xf32>
    %select_n3A_72 = arith.select %eq3A_67, %get3A_6, %select_n3A_71 : vector<16xi1>, vector<16xf32>
    %eq3A_73 = arith.constant 0 : i32
    %eq3A_74 = vector.broadcast %eq3A_73 : i32 to vector<16xi32>
    %eq3A_75 = arith.cmpi eq, %select_n3A_64, %eq3A_74 : vector<16xi32>
    %eq3A_76 = arith.constant 1 : i32
    %eq3A_77 = vector.broadcast %eq3A_76 : i32 to vector<16xi32>
    %eq3A_78 = arith.cmpi eq, %select_n3A_64, %eq3A_77 : vector<16xi32>
    %select_n3A_79 = arith.select %eq3A_78, %get3A_26, %get3A_31 : vector<16xi1>, vector<16xf32>
    %select_n3A_80 = arith.select %eq3A_75, %get3A_21, %select_n3A_79 : vector<16xi1>, vector<16xf32>
    %eq3A_81 = arith.constant 0 : i32
    %eq3A_82 = vector.broadcast %eq3A_81 : i32 to vector<16xi32>
    %eq3A_83 = arith.cmpi eq, %select_n3A_64, %eq3A_82 : vector<16xi32>
    %eq3A_84 = arith.constant 1 : i32
    %eq3A_85 = vector.broadcast %eq3A_84 : i32 to vector<16xi32>
    %eq3A_86 = arith.cmpi eq, %select_n3A_64, %eq3A_85 : vector<16xi32>
    %select_n3A_87 = arith.select %eq3A_86, %get3A_41, %get3A_46 : vector<16xi1>, vector<16xf32>
    %select_n3A_88 = arith.select %eq3A_83, %get3A_36, %select_n3A_87 : vector<16xi1>, vector<16xf32>
    %add3A_89 = arith.constant 16 : i32
    %add3A_90 = vector.broadcast %add3A_89 : i32 to vector<16xi32>
    %add3A_91 = arith.addi %iota3A, %add3A_90 : vector<16xi32>
    %jit3A_92 = arith.constant 3 : i32
    %eq3A_93 = arith.constant 0 : i32
    %eq3A_94 = arith.cmpi eq, %jit3A_92, %eq3A_93 : i32
    %jit3A_95 = arith.constant 1 : i32
    %select_n3A_96 = arith.select %eq3A_94, %jit3A_95, %jit3A_92 : i32
    %rem3A_97 = vector.broadcast %select_n3A_96 : i32 to vector<16xi32>
    %rem3A_98 = arith.remsi %add3A_91, %rem3A_97 : vector<16xi32>
    %ne3A_99 = arith.constant 0 : i32
    %ne3A_100 = vector.broadcast %ne3A_99 : i32 to vector<16xi32>
    %ne3A_101 = arith.cmpi ne, %rem3A_98, %ne3A_100 : vector<16xi32>
    %lt3A_102 = arith.constant 0 : i32
    %lt3A_103 = vector.broadcast %lt3A_102 : i32 to vector<16xi32>
    %lt3A_104 = arith.cmpi slt, %rem3A_98, %lt3A_103 : vector<16xi32>
    %lt3A_105 = arith.constant 0 : i32
    %lt3A_106 = arith.cmpi slt, %select_n3A_96, %lt3A_105 : i32
    %ne3A_107 = vector.broadcast %lt3A_106 : i1 to vector<16xi1>
    %ne3A_108 = vector.broadcast %ne3A_107 : vector<16xi1> to vector<16xi1>
    %ne3A_109 = arith.xori %lt3A_104, %ne3A_108 : vector<16xi1>
    %and3A_110 = arith.andi %ne3A_109, %ne3A_101 : vector<16xi1>
    %add3A_111 = vector.broadcast %select_n3A_96 : i32 to vector<16xi32>
    %add3A_112 = arith.addi %rem3A_98, %add3A_111 : vector<16xi32>
    %select_n3A_113 = arith.select %and3A_110, %add3A_112, %rem3A_98 : vector<16xi1>, vector<16xi32>
    %eq3A_114 = arith.constant 0 : i32
    %eq3A_115 = vector.broadcast %eq3A_114 : i32 to vector<16xi32>
    %eq3A_116 = arith.cmpi eq, %select_n3A_113, %eq3A_115 : vector<16xi32>
    %eq3A_117 = arith.constant 1 : i32
    %eq3A_118 = vector.broadcast %eq3A_117 : i32 to vector<16xi32>
    %eq3A_119 = arith.cmpi eq, %select_n3A_113, %eq3A_118 : vector<16xi32>
    %select_n3A_120 = arith.select %eq3A_119, %get3A_11, %get3A_16 : vector<16xi1>, vector<16xf32>
    %select_n3A_121 = arith.select %eq3A_116, %get3A_6, %select_n3A_120 : vector<16xi1>, vector<16xf32>
    %eq3A_122 = arith.constant 0 : i32
    %eq3A_123 = vector.broadcast %eq3A_122 : i32 to vector<16xi32>
    %eq3A_124 = arith.cmpi eq, %select_n3A_113, %eq3A_123 : vector<16xi32>
    %eq3A_125 = arith.constant 1 : i32
    %eq3A_126 = vector.broadcast %eq3A_125 : i32 to vector<16xi32>
    %eq3A_127 = arith.cmpi eq, %select_n3A_113, %eq3A_126 : vector<16xi32>
    %select_n3A_128 = arith.select %eq3A_127, %get3A_26, %get3A_31 : vector<16xi1>, vector<16xf32>
    %select_n3A_129 = arith.select %eq3A_124, %get3A_21, %select_n3A_128 : vector<16xi1>, vector<16xf32>
    %eq3A_130 = arith.constant 0 : i32
    %eq3A_131 = vector.broadcast %eq3A_130 : i32 to vector<16xi32>
    %eq3A_132 = arith.cmpi eq, %select_n3A_113, %eq3A_131 : vector<16xi32>
    %eq3A_133 = arith.constant 1 : i32
    %eq3A_134 = vector.broadcast %eq3A_133 : i32 to vector<16xi32>
    %eq3A_135 = arith.cmpi eq, %select_n3A_113, %eq3A_134 : vector<16xi32>
    %select_n3A_136 = arith.select %eq3A_135, %get3A_41, %get3A_46 : vector<16xi1>, vector<16xf32>
    %select_n3A_137 = arith.select %eq3A_132, %get3A_36, %select_n3A_136 : vector<16xi1>, vector<16xf32>
    %add3A_138 = arith.constant 32 : i32
    %add3A_139 = vector.broadcast %add3A_138 : i32 to vector<16xi32>
    %add3A_140 = arith.addi %iota3A, %add3A_139 : vector<16xi32>
    %jit3A_141 = arith.constant 3 : i32
    %eq3A_142 = arith.constant 0 : i32
    %eq3A_143 = arith.cmpi eq, %jit3A_141, %eq3A_142 : i32
    %jit3A_144 = arith.constant 1 : i32
    %select_n3A_145 = arith.select %eq3A_143, %jit3A_144, %jit3A_141 : i32
    %rem3A_146 = vector.broadcast %select_n3A_145 : i32 to vector<16xi32>
    %rem3A_147 = arith.remsi %add3A_140, %rem3A_146 : vector<16xi32>
    %ne3A_148 = arith.constant 0 : i32
    %ne3A_149 = vector.broadcast %ne3A_148 : i32 to vector<16xi32>
    %ne3A_150 = arith.cmpi ne, %rem3A_147, %ne3A_149 : vector<16xi32>
    %lt3A_151 = arith.constant 0 : i32
    %lt3A_152 = vector.broadcast %lt3A_151 : i32 to vector<16xi32>
    %lt3A_153 = arith.cmpi slt, %rem3A_147, %lt3A_152 : vector<16xi32>
    %lt3A_154 = arith.constant 0 : i32
    %lt3A_155 = arith.cmpi slt, %select_n3A_145, %lt3A_154 : i32
    %ne3A_156 = vector.broadcast %lt3A_155 : i1 to vector<16xi1>
    %ne3A_157 = vector.broadcast %ne3A_156 : vector<16xi1> to vector<16xi1>
    %ne3A_158 = arith.xori %lt3A_153, %ne3A_157 : vector<16xi1>
    %and3A_159 = arith.andi %ne3A_158, %ne3A_150 : vector<16xi1>
    %add3A_160 = vector.broadcast %select_n3A_145 : i32 to vector<16xi32>
    %add3A_161 = arith.addi %rem3A_147, %add3A_160 : vector<16xi32>
    %select_n3A_162 = arith.select %and3A_159, %add3A_161, %rem3A_147 : vector<16xi1>, vector<16xi32>
    %eq3A_163 = arith.constant 0 : i32
    %eq3A_164 = vector.broadcast %eq3A_163 : i32 to vector<16xi32>
    %eq3A_165 = arith.cmpi eq, %select_n3A_162, %eq3A_164 : vector<16xi32>
    %eq3A_166 = arith.constant 1 : i32
    %eq3A_167 = vector.broadcast %eq3A_166 : i32 to vector<16xi32>
    %eq3A_168 = arith.cmpi eq, %select_n3A_162, %eq3A_167 : vector<16xi32>
    %select_n3A_169 = arith.select %eq3A_168, %get3A_11, %get3A_16 : vector<16xi1>, vector<16xf32>
    %select_n3A_170 = arith.select %eq3A_165, %get3A_6, %select_n3A_169 : vector<16xi1>, vector<16xf32>
    %eq3A_171 = arith.constant 0 : i32
    %eq3A_172 = vector.broadcast %eq3A_171 : i32 to vector<16xi32>
    %eq3A_173 = arith.cmpi eq, %select_n3A_162, %eq3A_172 : vector<16xi32>
    %eq3A_174 = arith.constant 1 : i32
    %eq3A_175 = vector.broadcast %eq3A_174 : i32 to vector<16xi32>
    %eq3A_176 = arith.cmpi eq, %select_n3A_162, %eq3A_175 : vector<16xi32>
    %select_n3A_177 = arith.select %eq3A_176, %get3A_26, %get3A_31 : vector<16xi1>, vector<16xf32>
    %select_n3A_178 = arith.select %eq3A_173, %get3A_21, %select_n3A_177 : vector<16xi1>, vector<16xf32>
    %eq3A_179 = arith.constant 0 : i32
    %eq3A_180 = vector.broadcast %eq3A_179 : i32 to vector<16xi32>
    %eq3A_181 = arith.cmpi eq, %select_n3A_162, %eq3A_180 : vector<16xi32>
    %eq3A_182 = arith.constant 1 : i32
    %eq3A_183 = vector.broadcast %eq3A_182 : i32 to vector<16xi32>
    %eq3A_184 = arith.cmpi eq, %select_n3A_162, %eq3A_183 : vector<16xi32>
    %select_n3A_185 = arith.select %eq3A_184, %get3A_41, %get3A_46 : vector<16xi1>, vector<16xf32>
    %select_n3A_186 = arith.select %eq3A_181, %get3A_36, %select_n3A_185 : vector<16xi1>, vector<16xf32>
    %mul3A_187 = arith.constant 3 : i32
    %mul3A_188 = vector.broadcast %mul3A_187 : i32 to vector<16xi32>
    %mul3A_189 = arith.muli %iota3A, %mul3A_188 : vector<16xi32>
    %add3A_190 = arith.constant 0 : i32
    %add3A_191 = vector.broadcast %add3A_190 : i32 to vector<16xi32>
    %add3A_192 = arith.addi %mul3A_189, %add3A_191 : vector<16xi32>
    %jit3A_193 = arith.constant 16 : i32
    %eq3A_194 = arith.constant 0 : i32
    %eq3A_195 = arith.cmpi eq, %jit3A_193, %eq3A_194 : i32
    %jit3A_196 = arith.constant 1 : i32
    %select_n3A_197 = arith.select %eq3A_195, %jit3A_196, %jit3A_193 : i32
    %rem3A_198 = vector.broadcast %select_n3A_197 : i32 to vector<16xi32>
    %rem3A_199 = arith.remsi %add3A_192, %rem3A_198 : vector<16xi32>
    %ne3A_200 = arith.constant 0 : i32
    %ne3A_201 = vector.broadcast %ne3A_200 : i32 to vector<16xi32>
    %ne3A_202 = arith.cmpi ne, %rem3A_199, %ne3A_201 : vector<16xi32>
    %lt3A_203 = arith.constant 0 : i32
    %lt3A_204 = vector.broadcast %lt3A_203 : i32 to vector<16xi32>
    %lt3A_205 = arith.cmpi slt, %rem3A_199, %lt3A_204 : vector<16xi32>
    %lt3A_206 = arith.constant 0 : i32
    %lt3A_207 = arith.cmpi slt, %select_n3A_197, %lt3A_206 : i32
    %ne3A_208 = vector.broadcast %lt3A_207 : i1 to vector<16xi1>
    %ne3A_209 = vector.broadcast %ne3A_208 : vector<16xi1> to vector<16xi1>
    %ne3A_210 = arith.xori %lt3A_205, %ne3A_209 : vector<16xi1>
    %and3A_211 = arith.andi %ne3A_210, %ne3A_202 : vector<16xi1>
    %add3A_212 = vector.broadcast %select_n3A_197 : i32 to vector<16xi32>
    %add3A_213 = arith.addi %rem3A_199, %add3A_212 : vector<16xi32>
    %select_n3A_214 = arith.select %and3A_211, %add3A_213, %rem3A_199 : vector<16xi1>, vector<16xi32>
    %lt3A_215 = arith.constant 16 : i32
    %lt3A_216 = vector.broadcast %lt3A_215 : i32 to vector<16xi32>
    %lt3A_217 = arith.cmpi slt, %add3A_192, %lt3A_216 : vector<16xi32>
    %lt3A_218 = arith.constant 32 : i32
    %lt3A_219 = vector.broadcast %lt3A_218 : i32 to vector<16xi32>
    %lt3A_220 = arith.cmpi slt, %add3A_192, %lt3A_219 : vector<16xi32>
    %mul3A_221 = arith.constant 3 : i32
    %mul3A_222 = vector.broadcast %mul3A_221 : i32 to vector<16xi32>
    %mul3A_223 = arith.muli %iota3A, %mul3A_222 : vector<16xi32>
    %add3A_224 = arith.constant 1 : i32
    %add3A_225 = vector.broadcast %add3A_224 : i32 to vector<16xi32>
    %add3A_226 = arith.addi %mul3A_223, %add3A_225 : vector<16xi32>
    %jit3A_227 = arith.constant 16 : i32
    %eq3A_228 = arith.constant 0 : i32
    %eq3A_229 = arith.cmpi eq, %jit3A_227, %eq3A_228 : i32
    %jit3A_230 = arith.constant 1 : i32
    %select_n3A_231 = arith.select %eq3A_229, %jit3A_230, %jit3A_227 : i32
    %rem3A_232 = vector.broadcast %select_n3A_231 : i32 to vector<16xi32>
    %rem3A_233 = arith.remsi %add3A_226, %rem3A_232 : vector<16xi32>
    %ne3A_234 = arith.constant 0 : i32
    %ne3A_235 = vector.broadcast %ne3A_234 : i32 to vector<16xi32>
    %ne3A_236 = arith.cmpi ne, %rem3A_233, %ne3A_235 : vector<16xi32>
    %lt3A_237 = arith.constant 0 : i32
    %lt3A_238 = vector.broadcast %lt3A_237 : i32 to vector<16xi32>
    %lt3A_239 = arith.cmpi slt, %rem3A_233, %lt3A_238 : vector<16xi32>
    %lt3A_240 = arith.constant 0 : i32
    %lt3A_241 = arith.cmpi slt, %select_n3A_231, %lt3A_240 : i32
    %ne3A_242 = vector.broadcast %lt3A_241 : i1 to vector<16xi1>
    %ne3A_243 = vector.broadcast %ne3A_242 : vector<16xi1> to vector<16xi1>
    %ne3A_244 = arith.xori %lt3A_239, %ne3A_243 : vector<16xi1>
    %and3A_245 = arith.andi %ne3A_244, %ne3A_236 : vector<16xi1>
    %add3A_246 = vector.broadcast %select_n3A_231 : i32 to vector<16xi32>
    %add3A_247 = arith.addi %rem3A_233, %add3A_246 : vector<16xi32>
    %select_n3A_248 = arith.select %and3A_245, %add3A_247, %rem3A_233 : vector<16xi1>, vector<16xi32>
    %lt3A_249 = arith.constant 16 : i32
    %lt3A_250 = vector.broadcast %lt3A_249 : i32 to vector<16xi32>
    %lt3A_251 = arith.cmpi slt, %add3A_226, %lt3A_250 : vector<16xi32>
    %lt3A_252 = arith.constant 32 : i32
    %lt3A_253 = vector.broadcast %lt3A_252 : i32 to vector<16xi32>
    %lt3A_254 = arith.cmpi slt, %add3A_226, %lt3A_253 : vector<16xi32>
    %mul3A_255 = arith.constant 3 : i32
    %mul3A_256 = vector.broadcast %mul3A_255 : i32 to vector<16xi32>
    %mul3A_257 = arith.muli %iota3A, %mul3A_256 : vector<16xi32>
    %add3A_258 = arith.constant 2 : i32
    %add3A_259 = vector.broadcast %add3A_258 : i32 to vector<16xi32>
    %add3A_260 = arith.addi %mul3A_257, %add3A_259 : vector<16xi32>
    %jit3A_261 = arith.constant 16 : i32
    %eq3A_262 = arith.constant 0 : i32
    %eq3A_263 = arith.cmpi eq, %jit3A_261, %eq3A_262 : i32
    %jit3A_264 = arith.constant 1 : i32
    %select_n3A_265 = arith.select %eq3A_263, %jit3A_264, %jit3A_261 : i32
    %rem3A_266 = vector.broadcast %select_n3A_265 : i32 to vector<16xi32>
    %rem3A_267 = arith.remsi %add3A_260, %rem3A_266 : vector<16xi32>
    %ne3A_268 = arith.constant 0 : i32
    %ne3A_269 = vector.broadcast %ne3A_268 : i32 to vector<16xi32>
    %ne3A_270 = arith.cmpi ne, %rem3A_267, %ne3A_269 : vector<16xi32>
    %lt3A_271 = arith.constant 0 : i32
    %lt3A_272 = vector.broadcast %lt3A_271 : i32 to vector<16xi32>
    %lt3A_273 = arith.cmpi slt, %rem3A_267, %lt3A_272 : vector<16xi32>
    %lt3A_274 = arith.constant 0 : i32
    %lt3A_275 = arith.cmpi slt, %select_n3A_265, %lt3A_274 : i32
    %ne3A_276 = vector.broadcast %lt3A_275 : i1 to vector<16xi1>
    %ne3A_277 = vector.broadcast %ne3A_276 : vector<16xi1> to vector<16xi1>
    %ne3A_278 = arith.xori %lt3A_273, %ne3A_277 : vector<16xi1>
    %and3A_279 = arith.andi %ne3A_278, %ne3A_270 : vector<16xi1>
    %add3A_280 = vector.broadcast %select_n3A_265 : i32 to vector<16xi32>
    %add3A_281 = arith.addi %rem3A_267, %add3A_280 : vector<16xi32>
    %select_n3A_282 = arith.select %and3A_279, %add3A_281, %rem3A_267 : vector<16xi1>, vector<16xi32>
    %lt3A_283 = arith.constant 16 : i32
    %lt3A_284 = vector.broadcast %lt3A_283 : i32 to vector<16xi32>
    %lt3A_285 = arith.cmpi slt, %add3A_260, %lt3A_284 : vector<16xi32>
    %lt3A_286 = arith.constant 32 : i32
    %lt3A_287 = vector.broadcast %lt3A_286 : i32 to vector<16xi32>
    %lt3A_288 = arith.cmpi slt, %add3A_260, %lt3A_287 : vector<16xi32>
    %scan3A = arith.constant 0 : i32
    %scan3A_289 = arith.constant 0 : i32
    %scan3A_290 = arith.constant 4 : i32
    %scan3A_291 = arith.addi %scan3A_289, %scan3A_290 : i32
    %scan3A_292 = arith.constant 1 : i32
    scf.for %scan3A_296 = %scan3A_289 to %scan3A_291 step %scan3A_292  : i32 {
      %mul3A_297 = arith.constant 3 : i32
      %mul3A_298 = arith.muli %scan3A_296, %mul3A_297 : i32
      %add3A_299 = arith.constant 0 : i32
      %add3A_300 = arith.addi %mul3A_298, %add3A_299 : i32
      %mul3A_301 = arith.constant 384 : i32
      %mul3A_302 = arith.muli %add3A_300, %mul3A_301 : i32
      %add3A_303 = arith.constant 0 : i32
      %add3A_304 = arith.addi %mul3A_302, %add3A_303 : i32
      %get3A_305 = arith.index_cast %add3A_304 : i32 to index
      %get3A_306 = tpu.vector_load %arg5[%get3A_305] {strides = array<i32>} : memref<4608xf32, #tpu.memory_space<vmem>>, vector<16xf32>,
      %get3A_307 = vector.shape_cast %get3A_306 : vector<16xf32> to vector<16xf32>
      %mul3A_308 = arith.mulf %select_n3A_72, %get3A_307 : vector<16xf32>
      %mul3A_309 = arith.constant 3 : i32
      %mul3A_310 = arith.muli %scan3A_296, %mul3A_309 : i32
      %add3A_311 = arith.constant 1 : i32
      %add3A_312 = arith.addi %mul3A_310, %add3A_311 : i32
      %mul3A_313 = arith.constant 384 : i32
      %mul3A_314 = arith.muli %add3A_312, %mul3A_313 : i32
      %add3A_315 = arith.constant 0 : i32
      %add3A_316 = arith.addi %mul3A_314, %add3A_315 : i32
      %get3A_317 = arith.index_cast %add3A_316 : i32 to index
      %get3A_318 = tpu.vector_load %arg5[%get3A_317] {strides = array<i32>} : memref<4608xf32, #tpu.memory_space<vmem>>, vector<16xf32>,
      %get3A_319 = vector.shape_cast %get3A_318 : vector<16xf32> to vector<16xf32>
      %mul3A_320 = arith.mulf %select_n3A_80, %get3A_319 : vector<16xf32>
      %add3A_321 = arith.addf %mul3A_308, %mul3A_320 : vector<16xf32>
      %mul3A_322 = arith.constant 3 : i32
      %mul3A_323 = arith.muli %scan3A_296, %mul3A_322 : i32
      %add3A_324 = arith.constant 2 : i32
      %add3A_325 = arith.addi %mul3A_323, %add3A_324 : i32
      %mul3A_326 = arith.constant 384 : i32
      %mul3A_327 = arith.muli %add3A_325, %mul3A_326 : i32
      %add3A_328 = arith.constant 0 : i32
      %add3A_329 = arith.addi %mul3A_327, %add3A_328 : i32
      %get3A_330 = arith.index_cast %add3A_329 : i32 to index
      %get3A_331 = tpu.vector_load %arg5[%get3A_330] {strides = array<i32>} : memref<4608xf32, #tpu.memory_space<vmem>>, vector<16xf32>,
      %get3A_332 = vector.shape_cast %get3A_331 : vector<16xf32> to vector<16xf32>
      %mul3A_333 = arith.mulf %select_n3A_88, %get3A_332 : vector<16xf32>
      %add3A_334 = arith.addf %add3A_321, %mul3A_333 : vector<16xf32>
      %mul3A_335 = arith.constant 3 : i32
      %mul3A_336 = arith.muli %scan3A_296, %mul3A_335 : i32
      %add3A_337 = arith.constant 0 : i32
      %add3A_338 = arith.addi %mul3A_336, %add3A_337 : i32
      %mul3A_339 = arith.constant 384 : i32
      %mul3A_340 = arith.muli %add3A_338, %mul3A_339 : i32
      %add3A_341 = arith.constant 16 : i32
      %add3A_342 = arith.addi %mul3A_340, %add3A_341 : i32
      %get3A_343 = arith.index_cast %add3A_342 : i32 to index
      %get3A_344 = tpu.vector_load %arg5[%get3A_343] {strides = array<i32>} : memref<4608xf32, #tpu.memory_space<vmem>>, vector<16xf32>,
      %get3A_345 = vector.shape_cast %get3A_344 : vector<16xf32> to vector<16xf32>
      %mul3A_346 = arith.mulf %select_n3A_121, %get3A_345 : vector<16xf32>
      %mul3A_347 = arith.constant 3 : i32
      %mul3A_348 = arith.muli %scan3A_296, %mul3A_347 : i32
      %add3A_349 = arith.constant 1 : i32
      %add3A_350 = arith.addi %mul3A_348, %add3A_349 : i32
      %mul3A_351 = arith.constant 384 : i32
      %mul3A_352 = arith.muli %add3A_350, %mul3A_351 : i32
      %add3A_353 = arith.constant 16 : i32
      %add3A_354 = arith.addi %mul3A_352, %add3A_353 : i32
      %get3A_355 = arith.index_cast %add3A_354 : i32 to index
      %get3A_356 = tpu.vector_load %arg5[%get3A_355] {strides = array<i32>} : memref<4608xf32, #tpu.memory_space<vmem>>, vector<16xf32>,
      %get3A_357 = vector.shape_cast %get3A_356 : vector<16xf32> to vector<16xf32>
      %mul3A_358 = arith.mulf %select_n3A_129, %get3A_357 : vector<16xf32>
      %add3A_359 = arith.addf %mul3A_346, %mul3A_358 : vector<16xf32>
      %mul3A_360 = arith.constant 3 : i32
      %mul3A_361 = arith.muli %scan3A_296, %mul3A_360 : i32
      %add3A_362 = arith.constant 2 : i32
      %add3A_363 = arith.addi %mul3A_361, %add3A_362 : i32
      %mul3A_364 = arith.constant 384 : i32
      %mul3A_365 = arith.muli %add3A_363, %mul3A_364 : i32
      %add3A_366 = arith.constant 16 : i32
      %add3A_367 = arith.addi %mul3A_365, %add3A_366 : i32
      %get3A_368 = arith.index_cast %add3A_367 : i32 to index
      %get3A_369 = tpu.vector_load %arg5[%get3A_368] {strides = array<i32>} : memref<4608xf32, #tpu.memory_space<vmem>>, vector<16xf32>,
      %get3A_370 = vector.shape_cast %get3A_369 : vector<16xf32> to vector<16xf32>
      %mul3A_371 = arith.mulf %select_n3A_137, %get3A_370 : vector<16xf32>
      %add3A_372 = arith.addf %add3A_359, %mul3A_371 : vector<16xf32>
      %mul3A_373 = arith.constant 3 : i32
      %mul3A_374 = arith.muli %scan3A_296, %mul3A_373 : i32
      %add3A_375 = arith.constant 0 : i32
      %add3A_376 = arith.addi %mul3A_374, %add3A_375 : i32
      %mul3A_377 = arith.constant 384 : i32
      %mul3A_378 = arith.muli %add3A_376, %mul3A_377 : i32
      %add3A_379 = arith.constant 32 : i32
      %add3A_380 = arith.addi %mul3A_378, %add3A_379 : i32
      %get3A_381 = arith.index_cast %add3A_380 : i32 to index
      %get3A_382 = tpu.vector_load %arg5[%get3A_381] {strides = array<i32>} : memref<4608xf32, #tpu.memory_space<vmem>>, vector<16xf32>,
      %get3A_383 = vector.shape_cast %get3A_382 : vector<16xf32> to vector<16xf32>
      %mul3A_384 = arith.mulf %select_n3A_170, %get3A_383 : vector<16xf32>
      %mul3A_385 = arith.constant 3 : i32
      %mul3A_386 = arith.muli %scan3A_296, %mul3A_385 : i32
      %add3A_387 = arith.constant 1 : i32
      %add3A_388 = arith.addi %mul3A_386, %add3A_387 : i32
      %mul3A_389 = arith.constant 384 : i32
      %mul3A_390 = arith.muli %add3A_388, %mul3A_389 : i32
      %add3A_391 = arith.constant 32 : i32
      %add3A_392 = arith.addi %mul3A_390, %add3A_391 : i32
      %get3A_393 = arith.index_cast %add3A_392 : i32 to index
      %get3A_394 = tpu.vector_load %arg5[%get3A_393] {strides = array<i32>} : memref<4608xf32, #tpu.memory_space<vmem>>, vector<16xf32>,
      %get3A_395 = vector.shape_cast %get3A_394 : vector<16xf32> to vector<16xf32>
      %mul3A_396 = arith.mulf %select_n3A_178, %get3A_395 : vector<16xf32>
      %add3A_397 = arith.addf %mul3A_384, %mul3A_396 : vector<16xf32>
      %mul3A_398 = arith.constant 3 : i32
      %mul3A_399 = arith.muli %scan3A_296, %mul3A_398 : i32
      %add3A_400 = arith.constant 2 : i32
      %add3A_401 = arith.addi %mul3A_399, %add3A_400 : i32
      %mul3A_402 = arith.constant 384 : i32
      %mul3A_403 = arith.muli %add3A_401, %mul3A_402 : i32
      %add3A_404 = arith.constant 32 : i32
      %add3A_405 = arith.addi %mul3A_403, %add3A_404 : i32
      %get3A_406 = arith.index_cast %add3A_405 : i32 to index
      %get3A_407 = tpu.vector_load %arg5[%get3A_406] {strides = array<i32>} : memref<4608xf32, #tpu.memory_space<vmem>>, vector<16xf32>,
      %get3A_408 = vector.shape_cast %get3A_407 : vector<16xf32> to vector<16xf32>
      %mul3A_409 = arith.mulf %select_n3A_186, %get3A_408 : vector<16xf32>
      %add3A_410 = arith.addf %add3A_397, %mul3A_409 : vector<16xf32>
      %lt3A_411 = arith.constant 0 : i32
      %lt3A_412 = vector.broadcast %lt3A_411 : i32 to vector<16xi32>
      %lt3A_413 = arith.cmpi slt, %select_n3A_214, %lt3A_412 : vector<16xi32>
      %add3A_414 = arith.constant 16 : i32
      %add3A_415 = vector.broadcast %add3A_414 : i32 to vector<16xi32>
      %add3A_416 = arith.addi %select_n3A_214, %add3A_415 : vector<16xi32>
      %select_n3A_417 = arith.select %lt3A_413, %add3A_416, %select_n3A_214 : vector<16xi1>, vector<16xi32>
      %broadcast_in_dim3A = vector.shape_cast %select_n3A_417 : vector<16xi32> to vector<16x1xi32>
      %gather3A = vector.shape_cast %broadcast_in_dim3A : vector<16x1xi32> to vector<16xi32>
      %gather3A_418 = tpu.dynamic_gather %add3A_334[%gather3A] in [0] : vector<16xf32>, vector<16xi32> -> vector<16xf32>
      %lt3A_419 = arith.constant 0 : i32
      %lt3A_420 = vector.broadcast %lt3A_419 : i32 to vector<16xi32>
      %lt3A_421 = arith.cmpi slt, %select_n3A_214, %lt3A_420 : vector<16xi32>
      %add3A_422 = arith.constant 16 : i32
      %add3A_423 = vector.broadcast %add3A_422 : i32 to vector<16xi32>
      %add3A_424 = arith.addi %select_n3A_214, %add3A_423 : vector<16xi32>
      %select_n3A_425 = arith.select %lt3A_421, %add3A_424, %select_n3A_214 : vector<16xi1>, vector<16xi32>
      %broadcast_in_dim3A_426 = vector.shape_cast %select_n3A_425 : vector<16xi32> to vector<16x1xi32>
      %gather3A_427 = vector.shape_cast %broadcast_in_dim3A_426 : vector<16x1xi32> to vector<16xi32>
      %gather3A_428 = tpu.dynamic_gather %add3A_372[%gather3A_427] in [0] : vector<16xf32>, vector<16xi32> -> vector<16xf32>
      %lt3A_429 = arith.constant 0 : i32
      %lt3A_430 = vector.broadcast %lt3A_429 : i32 to vector<16xi32>
      %lt3A_431 = arith.cmpi slt, %select_n3A_214, %lt3A_430 : vector<16xi32>
      %add3A_432 = arith.constant 16 : i32
      %add3A_433 = vector.broadcast %add3A_432 : i32 to vector<16xi32>
      %add3A_434 = arith.addi %select_n3A_214, %add3A_433 : vector<16xi32>
      %select_n3A_435 = arith.select %lt3A_431, %add3A_434, %select_n3A_214 : vector<16xi1>, vector<16xi32>
      %broadcast_in_dim3A_436 = vector.shape_cast %select_n3A_435 : vector<16xi32> to vector<16x1xi32>
      %gather3A_437 = vector.shape_cast %broadcast_in_dim3A_436 : vector<16x1xi32> to vector<16xi32>
      %gather3A_438 = tpu.dynamic_gather %add3A_410[%gather3A_437] in [0] : vector<16xf32>, vector<16xi32> -> vector<16xf32>
      %select_n3A_439 = arith.select %lt3A_220, %gather3A_428, %gather3A_438 : vector<16xi1>, vector<16xf32>
      %select_n3A_440 = arith.select %lt3A_217, %gather3A_418, %select_n3A_439 : vector<16xi1>, vector<16xf32>
      %lt3A_441 = arith.constant 0 : i32
      %lt3A_442 = vector.broadcast %lt3A_441 : i32 to vector<16xi32>
      %lt3A_443 = arith.cmpi slt, %select_n3A_248, %lt3A_442 : vector<16xi32>
      %add3A_444 = arith.constant 16 : i32
      %add3A_445 = vector.broadcast %add3A_444 : i32 to vector<16xi32>
      %add3A_446 = arith.addi %select_n3A_248, %add3A_445 : vector<16xi32>
      %select_n3A_447 = arith.select %lt3A_443, %add3A_446, %select_n3A_248 : vector<16xi1>, vector<16xi32>
      %broadcast_in_dim3A_448 = vector.shape_cast %select_n3A_447 : vector<16xi32> to vector<16x1xi32>
      %gather3A_449 = vector.shape_cast %broadcast_in_dim3A_448 : vector<16x1xi32> to vector<16xi32>
      %gather3A_450 = tpu.dynamic_gather %add3A_334[%gather3A_449] in [0] : vector<16xf32>, vector<16xi32> -> vector<16xf32>
      %lt3A_451 = arith.constant 0 : i32
      %lt3A_452 = vector.broadcast %lt3A_451 : i32 to vector<16xi32>
      %lt3A_453 = arith.cmpi slt, %select_n3A_248, %lt3A_452 : vector<16xi32>
      %add3A_454 = arith.constant 16 : i32
      %add3A_455 = vector.broadcast %add3A_454 : i32 to vector<16xi32>
      %add3A_456 = arith.addi %select_n3A_248, %add3A_455 : vector<16xi32>
      %select_n3A_457 = arith.select %lt3A_453, %add3A_456, %select_n3A_248 : vector<16xi1>, vector<16xi32>
      %broadcast_in_dim3A_458 = vector.shape_cast %select_n3A_457 : vector<16xi32> to vector<16x1xi32>
      %gather3A_459 = vector.shape_cast %broadcast_in_dim3A_458 : vector<16x1xi32> to vector<16xi32>
      %gather3A_460 = tpu.dynamic_gather %add3A_372[%gather3A_459] in [0] : vector<16xf32>, vector<16xi32> -> vector<16xf32>
      %lt3A_461 = arith.constant 0 : i32
      %lt3A_462 = vector.broadcast %lt3A_461 : i32 to vector<16xi32>
      %lt3A_463 = arith.cmpi slt, %select_n3A_248, %lt3A_462 : vector<16xi32>
      %add3A_464 = arith.constant 16 : i32
      %add3A_465 = vector.broadcast %add3A_464 : i32 to vector<16xi32>
      %add3A_466 = arith.addi %select_n3A_248, %add3A_465 : vector<16xi32>
      %select_n3A_467 = arith.select %lt3A_463, %add3A_466, %select_n3A_248 : vector<16xi1>, vector<16xi32>
      %broadcast_in_dim3A_468 = vector.shape_cast %select_n3A_467 : vector<16xi32> to vector<16x1xi32>
      %gather3A_469 = vector.shape_cast %broadcast_in_dim3A_468 : vector<16x1xi32> to vector<16xi32>
      %gather3A_470 = tpu.dynamic_gather %add3A_410[%gather3A_469] in [0] : vector<16xf32>, vector<16xi32> -> vector<16xf32>
      %select_n3A_471 = arith.select %lt3A_254, %gather3A_460, %gather3A_470 : vector<16xi1>, vector<16xf32>
      %select_n3A_472 = arith.select %lt3A_251, %gather3A_450, %select_n3A_471 : vector<16xi1>, vector<16xf32>
      %add3A_473 = arith.addf %select_n3A_440, %select_n3A_472 : vector<16xf32>
      %lt3A_474 = arith.constant 0 : i32
      %lt3A_475 = vector.broadcast %lt3A_474 : i32 to vector<16xi32>
      %lt3A_476 = arith.cmpi slt, %select_n3A_282, %lt3A_475 : vector<16xi32>
      %add3A_477 = arith.constant 16 : i32
      %add3A_478 = vector.broadcast %add3A_477 : i32 to vector<16xi32>
      %add3A_479 = arith.addi %select_n3A_282, %add3A_478 : vector<16xi32>
      %select_n3A_480 = arith.select %lt3A_476, %add3A_479, %select_n3A_282 : vector<16xi1>, vector<16xi32>
      %broadcast_in_dim3A_481 = vector.shape_cast %select_n3A_480 : vector<16xi32> to vector<16x1xi32>
      %gather3A_482 = vector.shape_cast %broadcast_in_dim3A_481 : vector<16x1xi32> to vector<16xi32>
      %gather3A_483 = tpu.dynamic_gather %add3A_334[%gather3A_482] in [0] : vector<16xf32>, vector<16xi32> -> vector<16xf32>
      %lt3A_484 = arith.constant 0 : i32
      %lt3A_485 = vector.broadcast %lt3A_484 : i32 to vector<16xi32>
      %lt3A_486 = arith.cmpi slt, %select_n3A_282, %lt3A_485 : vector<16xi32>
      %add3A_487 = arith.constant 16 : i32
      %add3A_488 = vector.broadcast %add3A_487 : i32 to vector<16xi32>
      %add3A_489 = arith.addi %select_n3A_282, %add3A_488 : vector<16xi32>
      %select_n3A_490 = arith.select %lt3A_486, %add3A_489, %select_n3A_282 : vector<16xi1>, vector<16xi32>
      %broadcast_in_dim3A_491 = vector.shape_cast %select_n3A_490 : vector<16xi32> to vector<16x1xi32>
      %gather3A_492 = vector.shape_cast %broadcast_in_dim3A_491 : vector<16x1xi32> to vector<16xi32>
      %gather3A_493 = tpu.dynamic_gather %add3A_372[%gather3A_492] in [0] : vector<16xf32>, vector<16xi32> -> vector<16xf32>
      %lt3A_494 = arith.constant 0 : i32
      %lt3A_495 = vector.broadcast %lt3A_494 : i32 to vector<16xi32>
      %lt3A_496 = arith.cmpi slt, %select_n3A_282, %lt3A_495 : vector<16xi32>
      %add3A_497 = arith.constant 16 : i32
      %add3A_498 = vector.broadcast %add3A_497 : i32 to vector<16xi32>
      %add3A_499 = arith.addi %select_n3A_282, %add3A_498 : vector<16xi32>
      %select_n3A_500 = arith.select %lt3A_496, %add3A_499, %select_n3A_282 : vector<16xi1>, vector<16xi32>
      %broadcast_in_dim3A_501 = vector.shape_cast %select_n3A_500 : vector<16xi32> to vector<16x1xi32>
      %gather3A_502 = vector.shape_cast %broadcast_in_dim3A_501 : vector<16x1xi32> to vector<16xi32>
      %gather3A_503 = tpu.dynamic_gather %add3A_410[%gather3A_502] in [0] : vector<16xf32>, vector<16xi32> -> vector<16xf32>
      %select_n3A_504 = arith.select %lt3A_288, %gather3A_493, %gather3A_503 : vector<16xi1>, vector<16xf32>
      %select_n3A_505 = arith.select %lt3A_285, %gather3A_483, %select_n3A_504 : vector<16xi1>, vector<16xf32>
      %add3A_506 = arith.addf %add3A_473, %select_n3A_505 : vector<16xf32>
      %mul3A_507 = arith.constant 128 : i32
      %mul3A_508 = arith.muli %scan3A_296, %mul3A_507 : i32
      %add3A_509 = arith.constant 0 : i32
      %add3A_510 = arith.addi %mul3A_508, %add3A_509 : i32
      %swap3A = arith.index_cast %add3A_510 : i32 to index
      %swap3A_511 = tpu.vector_load %arg7[%swap3A] {strides = array<i32>} : memref<512xf32, #tpu.memory_space<vmem>>, vector<16xf32>,
      %swap3A_512 = vector.shape_cast %swap3A_511 : vector<16xf32> to vector<16xf32>
      %swap3A_513 = vector.shape_cast %add3A_506 : vector<16xf32> to vector<16xf32>
      tpu.vector_store %arg7[%swap3A], %swap3A_513 {strides = array<i32>} : memref<512xf32, #tpu.memory_space<vmem>>, vector<16xf32>,
      %mul3A_514 = arith.constant 3 : i32
      %mul3A_515 = arith.muli %scan3A_296, %mul3A_514 : i32
      %add3A_516 = arith.constant 0 : i32
      %add3A_517 = arith.addi %mul3A_515, %add3A_516 : i32
      %mul3A_518 = arith.constant 384 : i32
      %mul3A_519 = arith.muli %add3A_517, %mul3A_518 : i32
      %add3A_520 = arith.constant 48 : i32
      %add3A_521 = arith.addi %mul3A_519, %add3A_520 : i32
      %get3A_522 = arith.index_cast %add3A_521 : i32 to index
      %get3A_523 = tpu.vector_load %arg5[%get3A_522] {strides = array<i32>} : memref<4608xf32, #tpu.memory_space<vmem>>, vector<16xf32>,
      %get3A_524 = vector.shape_cast %get3A_523 : vector<16xf32> to vector<16xf32>
      %mul3A_525 = arith.mulf %select_n3A_72, %get3A_524 : vector<16xf32>
      %mul3A_526 = arith.constant 3 : i32
      %mul3A_527 = arith.muli %scan3A_296, %mul3A_526 : i32
      %add3A_528 = arith.constant 1 : i32
      %add3A_529 = arith.addi %mul3A_527, %add3A_528 : i32
      %mul3A_530 = arith.constant 384 : i32
      %mul3A_531 = arith.muli %add3A_529, %mul3A_530 : i32
      %add3A_532 = arith.constant 48 : i32
      %add3A_533 = arith.addi %mul3A_531, %add3A_532 : i32
      %get3A_534 = arith.index_cast %add3A_533 : i32 to index
      %get3A_535 = tpu.vector_load %arg5[%get3A_534] {strides = array<i32>} : memref<4608xf32, #tpu.memory_space<vmem>>, vector<16xf32>,
      %get3A_536 = vector.shape_cast %get3A_535 : vector<16xf32> to vector<16xf32>
      %mul3A_537 = arith.mulf %select_n3A_80, %get3A_536 : vector<16xf32>
      %add3A_538 = arith.addf %mul3A_525, %mul3A_537 : vector<16xf32>
      %mul3A_539 = arith.constant 3 : i32
      %mul3A_540 = arith.muli %scan3A_296, %mul3A_539 : i32
      %add3A_541 = arith.constant 2 : i32
      %add3A_542 = arith.addi %mul3A_540, %add3A_541 : i32
      %mul3A_543 = arith.constant 384 : i32
      %mul3A_544 = arith.muli %add3A_542, %mul3A_543 : i32
      %add3A_545 = arith.constant 48 : i32
      %add3A_546 = arith.addi %mul3A_544, %add3A_545 : i32
      %get3A_547 = arith.index_cast %add3A_546 : i32 to index
      %get3A_548 = tpu.vector_load %arg5[%get3A_547] {strides = array<i32>} : memref<4608xf32, #tpu.memory_space<vmem>>, vector<16xf32>,
      %get3A_549 = vector.shape_cast %get3A_548 : vector<16xf32> to vector<16xf32>
      %mul3A_550 = arith.mulf %select_n3A_88, %get3A_549 : vector<16xf32>
      %add3A_551 = arith.addf %add3A_538, %mul3A_550 : vector<16xf32>
      %mul3A_552 = arith.constant 3 : i32
      %mul3A_553 = arith.muli %scan3A_296, %mul3A_552 : i32
      %add3A_554 = arith.constant 0 : i32
      %add3A_555 = arith.addi %mul3A_553, %add3A_554 : i32
      %mul3A_556 = arith.constant 384 : i32
      %mul3A_557 = arith.muli %add3A_555, %mul3A_556 : i32
      %add3A_558 = arith.constant 64 : i32
      %add3A_559 = arith.addi %mul3A_557, %add3A_558 : i32
      %get3A_560 = arith.index_cast %add3A_559 : i32 to index
      %get3A_561 = tpu.vector_load %arg5[%get3A_560] {strides = array<i32>} : memref<4608xf32, #tpu.memory_space<vmem>>, vector<16xf32>,
      %get3A_562 = vector.shape_cast %get3A_561 : vector<16xf32> to vector<16xf32>
      %mul3A_563 = arith.mulf %select_n3A_121, %get3A_562 : vector<16xf32>
      %mul3A_564 = arith.constant 3 : i32
      %mul3A_565 = arith.muli %scan3A_296, %mul3A_564 : i32
      %add3A_566 = arith.constant 1 : i32
      %add3A_567 = arith.addi %mul3A_565, %add3A_566 : i32
      %mul3A_568 = arith.constant 384 : i32
      %mul3A_569 = arith.muli %add3A_567, %mul3A_568 : i32
      %add3A_570 = arith.constant 64 : i32
      %add3A_571 = arith.addi %mul3A_569, %add3A_570 : i32
      %get3A_572 = arith.index_cast %add3A_571 : i32 to index
      %get3A_573 = tpu.vector_load %arg5[%get3A_572] {strides = array<i32>} : memref<4608xf32, #tpu.memory_space<vmem>>, vector<16xf32>,
      %get3A_574 = vector.shape_cast %get3A_573 : vector<16xf32> to vector<16xf32>
      %mul3A_575 = arith.mulf %select_n3A_129, %get3A_574 : vector<16xf32>
      %add3A_576 = arith.addf %mul3A_563, %mul3A_575 : vector<16xf32>
      %mul3A_577 = arith.constant 3 : i32
      %mul3A_578 = arith.muli %scan3A_296, %mul3A_577 : i32
      %add3A_579 = arith.constant 2 : i32
      %add3A_580 = arith.addi %mul3A_578, %add3A_579 : i32
      %mul3A_581 = arith.constant 384 : i32
      %mul3A_582 = arith.muli %add3A_580, %mul3A_581 : i32
      %add3A_583 = arith.constant 64 : i32
      %add3A_584 = arith.addi %mul3A_582, %add3A_583 : i32
      %get3A_585 = arith.index_cast %add3A_584 : i32 to index
      %get3A_586 = tpu.vector_load %arg5[%get3A_585] {strides = array<i32>} : memref<4608xf32, #tpu.memory_space<vmem>>, vector<16xf32>,
      %get3A_587 = vector.shape_cast %get3A_586 : vector<16xf32> to vector<16xf32>
      %mul3A_588 = arith.mulf %select_n3A_137, %get3A_587 : vector<16xf32>
      %add3A_589 = arith.addf %add3A_576, %mul3A_588 : vector<16xf32>
      %mul3A_590 = arith.constant 3 : i32
      %mul3A_591 = arith.muli %scan3A_296, %mul3A_590 : i32
      %add3A_592 = arith.constant 0 : i32
      %add3A_593 = arith.addi %mul3A_591, %add3A_592 : i32
      %mul3A_594 = arith.constant 384 : i32
      %mul3A_595 = arith.muli %add3A_593, %mul3A_594 : i32
      %add3A_596 = arith.constant 80 : i32
      %add3A_597 = arith.addi %mul3A_595, %add3A_596 : i32
      %get3A_598 = arith.index_cast %add3A_597 : i32 to index
      %get3A_599 = tpu.vector_load %arg5[%get3A_598] {strides = array<i32>} : memref<4608xf32, #tpu.memory_space<vmem>>, vector<16xf32>,
      %get3A_600 = vector.shape_cast %get3A_599 : vector<16xf32> to vector<16xf32>
      %mul3A_601 = arith.mulf %select_n3A_170, %get3A_600 : vector<16xf32>
      %mul3A_602 = arith.constant 3 : i32
      %mul3A_603 = arith.muli %scan3A_296, %mul3A_602 : i32
      %add3A_604 = arith.constant 1 : i32
      %add3A_605 = arith.addi %mul3A_603, %add3A_604 : i32
      %mul3A_606 = arith.constant 384 : i32
      %mul3A_607 = arith.muli %add3A_605, %mul3A_606 : i32
      %add3A_608 = arith.constant 80 : i32
      %add3A_609 = arith.addi %mul3A_607, %add3A_608 : i32
      %get3A_610 = arith.index_cast %add3A_609 : i32 to index
      %get3A_611 = tpu.vector_load %arg5[%get3A_610] {strides = array<i32>} : memref<4608xf32, #tpu.memory_space<vmem>>, vector<16xf32>,
      %get3A_612 = vector.shape_cast %get3A_611 : vector<16xf32> to vector<16xf32>
      %mul3A_613 = arith.mulf %select_n3A_178, %get3A_612 : vector<16xf32>
      %add3A_614 = arith.addf %mul3A_601, %mul3A_613 : vector<16xf32>
      %mul3A_615 = arith.constant 3 : i32
      %mul3A_616 = arith.muli %scan3A_296, %mul3A_615 : i32
      %add3A_617 = arith.constant 2 : i32
      %add3A_618 = arith.addi %mul3A_616, %add3A_617 : i32
      %mul3A_619 = arith.constant 384 : i32
      %mul3A_620 = arith.muli %add3A_618, %mul3A_619 : i32
      %add3A_621 = arith.constant 80 : i32
      %add3A_622 = arith.addi %mul3A_620, %add3A_621 : i32
      %get3A_623 = arith.index_cast %add3A_622 : i32 to index
      %get3A_624 = tpu.vector_load %arg5[%get3A_623] {strides = array<i32>} : memref<4608xf32, #tpu.memory_space<vmem>>, vector<16xf32>,
      %get3A_625 = vector.shape_cast %get3A_624 : vector<16xf32> to vector<16xf32>
      %mul3A_626 = arith.mulf %select_n3A_186, %get3A_625 : vector<16xf32>
      %add3A_627 = arith.addf %add3A_614, %mul3A_626 : vector<16xf32>
      %lt3A_628 = arith.constant 0 : i32
      %lt3A_629 = vector.broadcast %lt3A_628 : i32 to vector<16xi32>
      %lt3A_630 = arith.cmpi slt, %select_n3A_214, %lt3A_629 : vector<16xi32>
      %add3A_631 = arith.constant 16 : i32
      %add3A_632 = vector.broadcast %add3A_631 : i32 to vector<16xi32>
      %add3A_633 = arith.addi %select_n3A_214, %add3A_632 : vector<16xi32>
      %select_n3A_634 = arith.select %lt3A_630, %add3A_633, %select_n3A_214 : vector<16xi1>, vector<16xi32>
      %broadcast_in_dim3A_635 = vector.shape_cast %select_n3A_634 : vector<16xi32> to vector<16x1xi32>
      %gather3A_636 = vector.shape_cast %broadcast_in_dim3A_635 : vector<16x1xi32> to vector<16xi32>
      %gather3A_637 = tpu.dynamic_gather %add3A_551[%gather3A_636] in [0] : vector<16xf32>, vector<16xi32> -> vector<16xf32>
      %lt3A_638 = arith.constant 0 : i32
      %lt3A_639 = vector.broadcast %lt3A_638 : i32 to vector<16xi32>
      %lt3A_640 = arith.cmpi slt, %select_n3A_214, %lt3A_639 : vector<16xi32>
      %add3A_641 = arith.constant 16 : i32
      %add3A_642 = vector.broadcast %add3A_641 : i32 to vector<16xi32>
      %add3A_643 = arith.addi %select_n3A_214, %add3A_642 : vector<16xi32>
      %select_n3A_644 = arith.select %lt3A_640, %add3A_643, %select_n3A_214 : vector<16xi1>, vector<16xi32>
      %broadcast_in_dim3A_645 = vector.shape_cast %select_n3A_644 : vector<16xi32> to vector<16x1xi32>
      %gather3A_646 = vector.shape_cast %broadcast_in_dim3A_645 : vector<16x1xi32> to vector<16xi32>
      %gather3A_647 = tpu.dynamic_gather %add3A_589[%gather3A_646] in [0] : vector<16xf32>, vector<16xi32> -> vector<16xf32>
      %lt3A_648 = arith.constant 0 : i32
      %lt3A_649 = vector.broadcast %lt3A_648 : i32 to vector<16xi32>
      %lt3A_650 = arith.cmpi slt, %select_n3A_214, %lt3A_649 : vector<16xi32>
      %add3A_651 = arith.constant 16 : i32
      %add3A_652 = vector.broadcast %add3A_651 : i32 to vector<16xi32>
      %add3A_653 = arith.addi %select_n3A_214, %add3A_652 : vector<16xi32>
      %select_n3A_654 = arith.select %lt3A_650, %add3A_653, %select_n3A_214 : vector<16xi1>, vector<16xi32>
      %broadcast_in_dim3A_655 = vector.shape_cast %select_n3A_654 : vector<16xi32> to vector<16x1xi32>
      %gather3A_656 = vector.shape_cast %broadcast_in_dim3A_655 : vector<16x1xi32> to vector<16xi32>
      %gather3A_657 = tpu.dynamic_gather %add3A_627[%gather3A_656] in [0] : vector<16xf32>, vector<16xi32> -> vector<16xf32>
      %select_n3A_658 = arith.select %lt3A_220, %gather3A_647, %gather3A_657 : vector<16xi1>, vector<16xf32>
      %select_n3A_659 = arith.select %lt3A_217, %gather3A_637, %select_n3A_658 : vector<16xi1>, vector<16xf32>
      %lt3A_660 = arith.constant 0 : i32
      %lt3A_661 = vector.broadcast %lt3A_660 : i32 to vector<16xi32>
      %lt3A_662 = arith.cmpi slt, %select_n3A_248, %lt3A_661 : vector<16xi32>
      %add3A_663 = arith.constant 16 : i32
      %add3A_664 = vector.broadcast %add3A_663 : i32 to vector<16xi32>
      %add3A_665 = arith.addi %select_n3A_248, %add3A_664 : vector<16xi32>
      %select_n3A_666 = arith.select %lt3A_662, %add3A_665, %select_n3A_248 : vector<16xi1>, vector<16xi32>
      %broadcast_in_dim3A_667 = vector.shape_cast %select_n3A_666 : vector<16xi32> to vector<16x1xi32>
      %gather3A_668 = vector.shape_cast %broadcast_in_dim3A_667 : vector<16x1xi32> to vector<16xi32>
      %gather3A_669 = tpu.dynamic_gather %add3A_551[%gather3A_668] in [0] : vector<16xf32>, vector<16xi32> -> vector<16xf32>
      %lt3A_670 = arith.constant 0 : i32
      %lt3A_671 = vector.broadcast %lt3A_670 : i32 to vector<16xi32>
      %lt3A_672 = arith.cmpi slt, %select_n3A_248, %lt3A_671 : vector<16xi32>
      %add3A_673 = arith.constant 16 : i32
      %add3A_674 = vector.broadcast %add3A_673 : i32 to vector<16xi32>
      %add3A_675 = arith.addi %select_n3A_248, %add3A_674 : vector<16xi32>
      %select_n3A_676 = arith.select %lt3A_672, %add3A_675, %select_n3A_248 : vector<16xi1>, vector<16xi32>
      %broadcast_in_dim3A_677 = vector.shape_cast %select_n3A_676 : vector<16xi32> to vector<16x1xi32>
      %gather3A_678 = vector.shape_cast %broadcast_in_dim3A_677 : vector<16x1xi32> to vector<16xi32>
      %gather3A_679 = tpu.dynamic_gather %add3A_589[%gather3A_678] in [0] : vector<16xf32>, vector<16xi32> -> vector<16xf32>
      %lt3A_680 = arith.constant 0 : i32
      %lt3A_681 = vector.broadcast %lt3A_680 : i32 to vector<16xi32>
      %lt3A_682 = arith.cmpi slt, %select_n3A_248, %lt3A_681 : vector<16xi32>
      %add3A_683 = arith.constant 16 : i32
      %add3A_684 = vector.broadcast %add3A_683 : i32 to vector<16xi32>
      %add3A_685 = arith.addi %select_n3A_248, %add3A_684 : vector<16xi32>
      %select_n3A_686 = arith.select %lt3A_682, %add3A_685, %select_n3A_248 : vector<16xi1>, vector<16xi32>
      %broadcast_in_dim3A_687 = vector.shape_cast %select_n3A_686 : vector<16xi32> to vector<16x1xi32>
      %gather3A_688 = vector.shape_cast %broadcast_in_dim3A_687 : vector<16x1xi32> to vector<16xi32>
      %gather3A_689 = tpu.dynamic_gather %add3A_627[%gather3A_688] in [0] : vector<16xf32>, vector<16xi32> -> vector<16xf32>
      %select_n3A_690 = arith.select %lt3A_254, %gather3A_679, %gather3A_689 : vector<16xi1>, vector<16xf32>
      %select_n3A_691 = arith.select %lt3A_251, %gather3A_669, %select_n3A_690 : vector<16xi1>, vector<16xf32>
      %add3A_692 = arith.addf %select_n3A_659, %select_n3A_691 : vector<16xf32>
      %lt3A_693 = arith.constant 0 : i32
      %lt3A_694 = vector.broadcast %lt3A_693 : i32 to vector<16xi32>
      %lt3A_695 = arith.cmpi slt, %select_n3A_282, %lt3A_694 : vector<16xi32>
      %add3A_696 = arith.constant 16 : i32
      %add3A_697 = vector.broadcast %add3A_696 : i32 to vector<16xi32>
      %add3A_698 = arith.addi %select_n3A_282, %add3A_697 : vector<16xi32>
      %select_n3A_699 = arith.select %lt3A_695, %add3A_698, %select_n3A_282 : vector<16xi1>, vector<16xi32>
      %broadcast_in_dim3A_700 = vector.shape_cast %select_n3A_699 : vector<16xi32> to vector<16x1xi32>
      %gather3A_701 = vector.shape_cast %broadcast_in_dim3A_700 : vector<16x1xi32> to vector<16xi32>
      %gather3A_702 = tpu.dynamic_gather %add3A_551[%gather3A_701] in [0] : vector<16xf32>, vector<16xi32> -> vector<16xf32>
      %lt3A_703 = arith.constant 0 : i32
      %lt3A_704 = vector.broadcast %lt3A_703 : i32 to vector<16xi32>
      %lt3A_705 = arith.cmpi slt, %select_n3A_282, %lt3A_704 : vector<16xi32>
      %add3A_706 = arith.constant 16 : i32
      %add3A_707 = vector.broadcast %add3A_706 : i32 to vector<16xi32>
      %add3A_708 = arith.addi %select_n3A_282, %add3A_707 : vector<16xi32>
      %select_n3A_709 = arith.select %lt3A_705, %add3A_708, %select_n3A_282 : vector<16xi1>, vector<16xi32>
      %broadcast_in_dim3A_710 = vector.shape_cast %select_n3A_709 : vector<16xi32> to vector<16x1xi32>
      %gather3A_711 = vector.shape_cast %broadcast_in_dim3A_710 : vector<16x1xi32> to vector<16xi32>
      %gather3A_712 = tpu.dynamic_gather %add3A_589[%gather3A_711] in [0] : vector<16xf32>, vector<16xi32> -> vector<16xf32>
      %lt3A_713 = arith.constant 0 : i32
      %lt3A_714 = vector.broadcast %lt3A_713 : i32 to vector<16xi32>
      %lt3A_715 = arith.cmpi slt, %select_n3A_282, %lt3A_714 : vector<16xi32>
      %add3A_716 = arith.constant 16 : i32
      %add3A_717 = vector.broadcast %add3A_716 : i32 to vector<16xi32>
      %add3A_718 = arith.addi %select_n3A_282, %add3A_717 : vector<16xi32>
      %select_n3A_719 = arith.select %lt3A_715, %add3A_718, %select_n3A_282 : vector<16xi1>, vector<16xi32>
      %broadcast_in_dim3A_720 = vector.shape_cast %select_n3A_719 : vector<16xi32> to vector<16x1xi32>
      %gather3A_721 = vector.shape_cast %broadcast_in_dim3A_720 : vector<16x1xi32> to vector<16xi32>
      %gather3A_722 = tpu.dynamic_gather %add3A_627[%gather3A_721] in [0] : vector<16xf32>, vector<16xi32> -> vector<16xf32>
      %select_n3A_723 = arith.select %lt3A_288, %gather3A_712, %gather3A_722 : vector<16xi1>, vector<16xf32>
      %select_n3A_724 = arith.select %lt3A_285, %gather3A_702, %select_n3A_723 : vector<16xi1>, vector<16xf32>
      %add3A_725 = arith.addf %add3A_692, %select_n3A_724 : vector<16xf32>
      %mul3A_726 = arith.constant 128 : i32
      %mul3A_727 = arith.muli %scan3A_296, %mul3A_726 : i32
      %add3A_728 = arith.constant 16 : i32
      %add3A_729 = arith.addi %mul3A_727, %add3A_728 : i32
      %swap3A_730 = arith.index_cast %add3A_729 : i32 to index
      %swap3A_731 = tpu.vector_load %arg7[%swap3A_730] {strides = array<i32>} : memref<512xf32, #tpu.memory_space<vmem>>, vector<16xf32>,
      %swap3A_732 = vector.shape_cast %swap3A_731 : vector<16xf32> to vector<16xf32>
      %swap3A_733 = vector.shape_cast %add3A_725 : vector<16xf32> to vector<16xf32>
      tpu.vector_store %arg7[%swap3A_730], %swap3A_733 {strides = array<i32>} : memref<512xf32, #tpu.memory_space<vmem>>, vector<16xf32>,
      %mul3A_734 = arith.constant 3 : i32
      %mul3A_735 = arith.muli %scan3A_296, %mul3A_734 : i32
      %add3A_736 = arith.constant 0 : i32
      %add3A_737 = arith.addi %mul3A_735, %add3A_736 : i32
      %mul3A_738 = arith.constant 384 : i32
      %mul3A_739 = arith.muli %add3A_737, %mul3A_738 : i32
      %add3A_740 = arith.constant 96 : i32
      %add3A_741 = arith.addi %mul3A_739, %add3A_740 : i32
      %get3A_742 = arith.index_cast %add3A_741 : i32 to index
      %get3A_743 = tpu.vector_load %arg5[%get3A_742] {strides = array<i32>} : memref<4608xf32, #tpu.memory_space<vmem>>, vector<16xf32>,
      %get3A_744 = vector.shape_cast %get3A_743 : vector<16xf32> to vector<16xf32>
      %mul3A_745 = arith.mulf %select_n3A_72, %get3A_744 : vector<16xf32>
      %mul3A_746 = arith.constant 3 : i32
      %mul3A_747 = arith.muli %scan3A_296, %mul3A_746 : i32
      %add3A_748 = arith.constant 1 : i32
      %add3A_749 = arith.addi %mul3A_747, %add3A_748 : i32
      %mul3A_750 = arith.constant 384 : i32
      %mul3A_751 = arith.muli %add3A_749, %mul3A_750 : i32
      %add3A_752 = arith.constant 96 : i32
      %add3A_753 = arith.addi %mul3A_751, %add3A_752 : i32
      %get3A_754 = arith.index_cast %add3A_753 : i32 to index
      %get3A_755 = tpu.vector_load %arg5[%get3A_754] {strides = array<i32>} : memref<4608xf32, #tpu.memory_space<vmem>>, vector<16xf32>,
      %get3A_756 = vector.shape_cast %get3A_755 : vector<16xf32> to vector<16xf32>
      %mul3A_757 = arith.mulf %select_n3A_80, %get3A_756 : vector<16xf32>
      %add3A_758 = arith.addf %mul3A_745, %mul3A_757 : vector<16xf32>
      %mul3A_759 = arith.constant 3 : i32
      %mul3A_760 = arith.muli %scan3A_296, %mul3A_759 : i32
      %add3A_761 = arith.constant 2 : i32
      %add3A_762 = arith.addi %mul3A_760, %add3A_761 : i32
      %mul3A_763 = arith.constant 384 : i32
      %mul3A_764 = arith.muli %add3A_762, %mul3A_763 : i32
      %add3A_765 = arith.constant 96 : i32
      %add3A_766 = arith.addi %mul3A_764, %add3A_765 : i32
      %get3A_767 = arith.index_cast %add3A_766 : i32 to index
      %get3A_768 = tpu.vector_load %arg5[%get3A_767] {strides = array<i32>} : memref<4608xf32, #tpu.memory_space<vmem>>, vector<16xf32>,
      %get3A_769 = vector.shape_cast %get3A_768 : vector<16xf32> to vector<16xf32>
      %mul3A_770 = arith.mulf %select_n3A_88, %get3A_769 : vector<16xf32>
      %add3A_771 = arith.addf %add3A_758, %mul3A_770 : vector<16xf32>
      %mul3A_772 = arith.constant 3 : i32
      %mul3A_773 = arith.muli %scan3A_296, %mul3A_772 : i32
      %add3A_774 = arith.constant 0 : i32
      %add3A_775 = arith.addi %mul3A_773, %add3A_774 : i32
      %mul3A_776 = arith.constant 384 : i32
      %mul3A_777 = arith.muli %add3A_775, %mul3A_776 : i32
      %add3A_778 = arith.constant 112 : i32
      %add3A_779 = arith.addi %mul3A_777, %add3A_778 : i32
      %get3A_780 = arith.index_cast %add3A_779 : i32 to index
      %get3A_781 = tpu.vector_load %arg5[%get3A_780] {strides = array<i32>} : memref<4608xf32, #tpu.memory_space<vmem>>, vector<16xf32>,
      %get3A_782 = vector.shape_cast %get3A_781 : vector<16xf32> to vector<16xf32>
      %mul3A_783 = arith.mulf %select_n3A_121, %get3A_782 : vector<16xf32>
      %mul3A_784 = arith.constant 3 : i32
      %mul3A_785 = arith.muli %scan3A_296, %mul3A_784 : i32
      %add3A_786 = arith.constant 1 : i32
      %add3A_787 = arith.addi %mul3A_785, %add3A_786 : i32
      %mul3A_788 = arith.constant 384 : i32
      %mul3A_789 = arith.muli %add3A_787, %mul3A_788 : i32
      %add3A_790 = arith.constant 112 : i32
      %add3A_791 = arith.addi %mul3A_789, %add3A_790 : i32
      %get3A_792 = arith.index_cast %add3A_791 : i32 to index
      %get3A_793 = tpu.vector_load %arg5[%get3A_792] {strides = array<i32>} : memref<4608xf32, #tpu.memory_space<vmem>>, vector<16xf32>,
      %get3A_794 = vector.shape_cast %get3A_793 : vector<16xf32> to vector<16xf32>
      %mul3A_795 = arith.mulf %select_n3A_129, %get3A_794 : vector<16xf32>
      %add3A_796 = arith.addf %mul3A_783, %mul3A_795 : vector<16xf32>
      %mul3A_797 = arith.constant 3 : i32
      %mul3A_798 = arith.muli %scan3A_296, %mul3A_797 : i32
      %add3A_799 = arith.constant 2 : i32
      %add3A_800 = arith.addi %mul3A_798, %add3A_799 : i32
      %mul3A_801 = arith.constant 384 : i32
      %mul3A_802 = arith.muli %add3A_800, %mul3A_801 : i32
      %add3A_803 = arith.constant 112 : i32
      %add3A_804 = arith.addi %mul3A_802, %add3A_803 : i32
      %get3A_805 = arith.index_cast %add3A_804 : i32 to index
      %get3A_806 = tpu.vector_load %arg5[%get3A_805] {strides = array<i32>} : memref<4608xf32, #tpu.memory_space<vmem>>, vector<16xf32>,
      %get3A_807 = vector.shape_cast %get3A_806 : vector<16xf32> to vector<16xf32>
      %mul3A_808 = arith.mulf %select_n3A_137, %get3A_807 : vector<16xf32>
      %add3A_809 = arith.addf %add3A_796, %mul3A_808 : vector<16xf32>
      %mul3A_810 = arith.constant 3 : i32
      %mul3A_811 = arith.muli %scan3A_296, %mul3A_810 : i32
      %add3A_812 = arith.constant 0 : i32
      %add3A_813 = arith.addi %mul3A_811, %add3A_812 : i32
      %mul3A_814 = arith.constant 384 : i32
      %mul3A_815 = arith.muli %add3A_813, %mul3A_814 : i32
      %add3A_816 = arith.constant 128 : i32
      %add3A_817 = arith.addi %mul3A_815, %add3A_816 : i32
      %get3A_818 = arith.index_cast %add3A_817 : i32 to index
      %get3A_819 = tpu.vector_load %arg5[%get3A_818] {strides = array<i32>} : memref<4608xf32, #tpu.memory_space<vmem>>, vector<16xf32>,
      %get3A_820 = vector.shape_cast %get3A_819 : vector<16xf32> to vector<16xf32>
      %mul3A_821 = arith.mulf %select_n3A_170, %get3A_820 : vector<16xf32>
      %mul3A_822 = arith.constant 3 : i32
      %mul3A_823 = arith.muli %scan3A_296, %mul3A_822 : i32
      %add3A_824 = arith.constant 1 : i32
      %add3A_825 = arith.addi %mul3A_823, %add3A_824 : i32
      %mul3A_826 = arith.constant 384 : i32
      %mul3A_827 = arith.muli %add3A_825, %mul3A_826 : i32
      %add3A_828 = arith.constant 128 : i32
      %add3A_829 = arith.addi %mul3A_827, %add3A_828 : i32
      %get3A_830 = arith.index_cast %add3A_829 : i32 to index
      %get3A_831 = tpu.vector_load %arg5[%get3A_830] {strides = array<i32>} : memref<4608xf32, #tpu.memory_space<vmem>>, vector<16xf32>,
      %get3A_832 = vector.shape_cast %get3A_831 : vector<16xf32> to vector<16xf32>
      %mul3A_833 = arith.mulf %select_n3A_178, %get3A_832 : vector<16xf32>
      %add3A_834 = arith.addf %mul3A_821, %mul3A_833 : vector<16xf32>
      %mul3A_835 = arith.constant 3 : i32
      %mul3A_836 = arith.muli %scan3A_296, %mul3A_835 : i32
      %add3A_837 = arith.constant 2 : i32
      %add3A_838 = arith.addi %mul3A_836, %add3A_837 : i32
      %mul3A_839 = arith.constant 384 : i32
      %mul3A_840 = arith.muli %add3A_838, %mul3A_839 : i32
      %add3A_841 = arith.constant 128 : i32
      %add3A_842 = arith.addi %mul3A_840, %add3A_841 : i32
      %get3A_843 = arith.index_cast %add3A_842 : i32 to index
      %get3A_844 = tpu.vector_load %arg5[%get3A_843] {strides = array<i32>} : memref<4608xf32, #tpu.memory_space<vmem>>, vector<16xf32>,
      %get3A_845 = vector.shape_cast %get3A_844 : vector<16xf32> to vector<16xf32>
      %mul3A_846 = arith.mulf %select_n3A_186, %get3A_845 : vector<16xf32>
      %add3A_847 = arith.addf %add3A_834, %mul3A_846 : vector<16xf32>
      %lt3A_848 = arith.constant 0 : i32
      %lt3A_849 = vector.broadcast %lt3A_848 : i32 to vector<16xi32>
      %lt3A_850 = arith.cmpi slt, %select_n3A_214, %lt3A_849 : vector<16xi32>
      %add3A_851 = arith.constant 16 : i32
      %add3A_852 = vector.broadcast %add3A_851 : i32 to vector<16xi32>
      %add3A_853 = arith.addi %select_n3A_214, %add3A_852 : vector<16xi32>
      %select_n3A_854 = arith.select %lt3A_850, %add3A_853, %select_n3A_214 : vector<16xi1>, vector<16xi32>
      %broadcast_in_dim3A_855 = vector.shape_cast %select_n3A_854 : vector<16xi32> to vector<16x1xi32>
      %gather3A_856 = vector.shape_cast %broadcast_in_dim3A_855 : vector<16x1xi32> to vector<16xi32>
      %gather3A_857 = tpu.dynamic_gather %add3A_771[%gather3A_856] in [0] : vector<16xf32>, vector<16xi32> -> vector<16xf32>
      %lt3A_858 = arith.constant 0 : i32
      %lt3A_859 = vector.broadcast %lt3A_858 : i32 to vector<16xi32>
      %lt3A_860 = arith.cmpi slt, %select_n3A_214, %lt3A_859 : vector<16xi32>
      %add3A_861 = arith.constant 16 : i32
      %add3A_862 = vector.broadcast %add3A_861 : i32 to vector<16xi32>
      %add3A_863 = arith.addi %select_n3A_214, %add3A_862 : vector<16xi32>
      %select_n3A_864 = arith.select %lt3A_860, %add3A_863, %select_n3A_214 : vector<16xi1>, vector<16xi32>
      %broadcast_in_dim3A_865 = vector.shape_cast %select_n3A_864 : vector<16xi32> to vector<16x1xi32>
      %gather3A_866 = vector.shape_cast %broadcast_in_dim3A_865 : vector<16x1xi32> to vector<16xi32>
      %gather3A_867 = tpu.dynamic_gather %add3A_809[%gather3A_866] in [0] : vector<16xf32>, vector<16xi32> -> vector<16xf32>
      %lt3A_868 = arith.constant 0 : i32
      %lt3A_869 = vector.broadcast %lt3A_868 : i32 to vector<16xi32>
      %lt3A_870 = arith.cmpi slt, %select_n3A_214, %lt3A_869 : vector<16xi32>
      %add3A_871 = arith.constant 16 : i32
      %add3A_872 = vector.broadcast %add3A_871 : i32 to vector<16xi32>
      %add3A_873 = arith.addi %select_n3A_214, %add3A_872 : vector<16xi32>
      %select_n3A_874 = arith.select %lt3A_870, %add3A_873, %select_n3A_214 : vector<16xi1>, vector<16xi32>
      %broadcast_in_dim3A_875 = vector.shape_cast %select_n3A_874 : vector<16xi32> to vector<16x1xi32>
      %gather3A_876 = vector.shape_cast %broadcast_in_dim3A_875 : vector<16x1xi32> to vector<16xi32>
      %gather3A_877 = tpu.dynamic_gather %add3A_847[%gather3A_876] in [0] : vector<16xf32>, vector<16xi32> -> vector<16xf32>
      %select_n3A_878 = arith.select %lt3A_220, %gather3A_867, %gather3A_877 : vector<16xi1>, vector<16xf32>
      %select_n3A_879 = arith.select %lt3A_217, %gather3A_857, %select_n3A_878 : vector<16xi1>, vector<16xf32>
      %lt3A_880 = arith.constant 0 : i32
      %lt3A_881 = vector.broadcast %lt3A_880 : i32 to vector<16xi32>
      %lt3A_882 = arith.cmpi slt, %select_n3A_248, %lt3A_881 : vector<16xi32>
      %add3A_883 = arith.constant 16 : i32
      %add3A_884 = vector.broadcast %add3A_883 : i32 to vector<16xi32>
      %add3A_885 = arith.addi %select_n3A_248, %add3A_884 : vector<16xi32>
      %select_n3A_886 = arith.select %lt3A_882, %add3A_885, %select_n3A_248 : vector<16xi1>, vector<16xi32>
      %broadcast_in_dim3A_887 = vector.shape_cast %select_n3A_886 : vector<16xi32> to vector<16x1xi32>
      %gather3A_888 = vector.shape_cast %broadcast_in_dim3A_887 : vector<16x1xi32> to vector<16xi32>
      %gather3A_889 = tpu.dynamic_gather %add3A_771[%gather3A_888] in [0] : vector<16xf32>, vector<16xi32> -> vector<16xf32>
      %lt3A_890 = arith.constant 0 : i32
      %lt3A_891 = vector.broadcast %lt3A_890 : i32 to vector<16xi32>
      %lt3A_892 = arith.cmpi slt, %select_n3A_248, %lt3A_891 : vector<16xi32>
      %add3A_893 = arith.constant 16 : i32
      %add3A_894 = vector.broadcast %add3A_893 : i32 to vector<16xi32>
      %add3A_895 = arith.addi %select_n3A_248, %add3A_894 : vector<16xi32>
      %select_n3A_896 = arith.select %lt3A_892, %add3A_895, %select_n3A_248 : vector<16xi1>, vector<16xi32>
      %broadcast_in_dim3A_897 = vector.shape_cast %select_n3A_896 : vector<16xi32> to vector<16x1xi32>
      %gather3A_898 = vector.shape_cast %broadcast_in_dim3A_897 : vector<16x1xi32> to vector<16xi32>
      %gather3A_899 = tpu.dynamic_gather %add3A_809[%gather3A_898] in [0] : vector<16xf32>, vector<16xi32> -> vector<16xf32>
      %lt3A_900 = arith.constant 0 : i32
      %lt3A_901 = vector.broadcast %lt3A_900 : i32 to vector<16xi32>
      %lt3A_902 = arith.cmpi slt, %select_n3A_248, %lt3A_901 : vector<16xi32>
      %add3A_903 = arith.constant 16 : i32
      %add3A_904 = vector.broadcast %add3A_903 : i32 to vector<16xi32>
      %add3A_905 = arith.addi %select_n3A_248, %add3A_904 : vector<16xi32>
      %select_n3A_906 = arith.select %lt3A_902, %add3A_905, %select_n3A_248 : vector<16xi1>, vector<16xi32>
      %broadcast_in_dim3A_907 = vector.shape_cast %select_n3A_906 : vector<16xi32> to vector<16x1xi32>
      %gather3A_908 = vector.shape_cast %broadcast_in_dim3A_907 : vector<16x1xi32> to vector<16xi32>
      %gather3A_909 = tpu.dynamic_gather %add3A_847[%gather3A_908] in [0] : vector<16xf32>, vector<16xi32> -> vector<16xf32>
      %select_n3A_910 = arith.select %lt3A_254, %gather3A_899, %gather3A_909 : vector<16xi1>, vector<16xf32>
      %select_n3A_911 = arith.select %lt3A_251, %gather3A_889, %select_n3A_910 : vector<16xi1>, vector<16xf32>
      %add3A_912 = arith.addf %select_n3A_879, %select_n3A_911 : vector<16xf32>
      %lt3A_913 = arith.constant 0 : i32
      %lt3A_914 = vector.broadcast %lt3A_913 : i32 to vector<16xi32>
      %lt3A_915 = arith.cmpi slt, %select_n3A_282, %lt3A_914 : vector<16xi32>
      %add3A_916 = arith.constant 16 : i32
      %add3A_917 = vector.broadcast %add3A_916 : i32 to vector<16xi32>
      %add3A_918 = arith.addi %select_n3A_282, %add3A_917 : vector<16xi32>
      %select_n3A_919 = arith.select %lt3A_915, %add3A_918, %select_n3A_282 : vector<16xi1>, vector<16xi32>
      %broadcast_in_dim3A_920 = vector.shape_cast %select_n3A_919 : vector<16xi32> to vector<16x1xi32>
      %gather3A_921 = vector.shape_cast %broadcast_in_dim3A_920 : vector<16x1xi32> to vector<16xi32>
      %gather3A_922 = tpu.dynamic_gather %add3A_771[%gather3A_921] in [0] : vector<16xf32>, vector<16xi32> -> vector<16xf32>
      %lt3A_923 = arith.constant 0 : i32
      %lt3A_924 = vector.broadcast %lt3A_923 : i32 to vector<16xi32>
      %lt3A_925 = arith.cmpi slt, %select_n3A_282, %lt3A_924 : vector<16xi32>
      %add3A_926 = arith.constant 16 : i32
      %add3A_927 = vector.broadcast %add3A_926 : i32 to vector<16xi32>
      %add3A_928 = arith.addi %select_n3A_282, %add3A_927 : vector<16xi32>
      %select_n3A_929 = arith.select %lt3A_925, %add3A_928, %select_n3A_282 : vector<16xi1>, vector<16xi32>
      %broadcast_in_dim3A_930 = vector.shape_cast %select_n3A_929 : vector<16xi32> to vector<16x1xi32>
      %gather3A_931 = vector.shape_cast %broadcast_in_dim3A_930 : vector<16x1xi32> to vector<16xi32>
      %gather3A_932 = tpu.dynamic_gather %add3A_809[%gather3A_931] in [0] : vector<16xf32>, vector<16xi32> -> vector<16xf32>
      %lt3A_933 = arith.constant 0 : i32
      %lt3A_934 = vector.broadcast %lt3A_933 : i32 to vector<16xi32>
      %lt3A_935 = arith.cmpi slt, %select_n3A_282, %lt3A_934 : vector<16xi32>
      %add3A_936 = arith.constant 16 : i32
      %add3A_937 = vector.broadcast %add3A_936 : i32 to vector<16xi32>
      %add3A_938 = arith.addi %select_n3A_282, %add3A_937 : vector<16xi32>
      %select_n3A_939 = arith.select %lt3A_935, %add3A_938, %select_n3A_282 : vector<16xi1>, vector<16xi32>
      %broadcast_in_dim3A_940 = vector.shape_cast %select_n3A_939 : vector<16xi32> to vector<16x1xi32>
      %gather3A_941 = vector.shape_cast %broadcast_in_dim3A_940 : vector<16x1xi32> to vector<16xi32>
      %gather3A_942 = tpu.dynamic_gather %add3A_847[%gather3A_941] in [0] : vector<16xf32>, vector<16xi32> -> vector<16xf32>
      %select_n3A_943 = arith.select %lt3A_288, %gather3A_932, %gather3A_942 : vector<16xi1>, vector<16xf32>
      %select_n3A_944 = arith.select %lt3A_285, %gather3A_922, %select_n3A_943 : vector<16xi1>, vector<16xf32>
      %add3A_945 = arith.addf %add3A_912, %select_n3A_944 : vector<16xf32>
      %mul3A_946 = arith.constant 128 : i32
      %mul3A_947 = arith.muli %scan3A_296, %mul3A_946 : i32
      %add3A_948 = arith.constant 32 : i32
      %add3A_949 = arith.addi %mul3A_947, %add3A_948 : i32
      %swap3A_950 = arith.index_cast %add3A_949 : i32 to index
      %swap3A_951 = tpu.vector_load %arg7[%swap3A_950] {strides = array<i32>} : memref<512xf32, #tpu.memory_space<vmem>>, vector<16xf32>,
      %swap3A_952 = vector.shape_cast %swap3A_951 : vector<16xf32> to vector<16xf32>
      %swap3A_953 = vector.shape_cast %add3A_945 : vector<16xf32> to vector<16xf32>
      tpu.vector_store %arg7[%swap3A_950], %swap3A_953 {strides = array<i32>} : memref<512xf32, #tpu.memory_space<vmem>>, vector<16xf32>,
      %mul3A_954 = arith.constant 3 : i32
      %mul3A_955 = arith.muli %scan3A_296, %mul3A_954 : i32
      %add3A_956 = arith.constant 0 : i32
      %add3A_957 = arith.addi %mul3A_955, %add3A_956 : i32
      %mul3A_958 = arith.constant 384 : i32
      %mul3A_959 = arith.muli %add3A_957, %mul3A_958 : i32
      %add3A_960 = arith.constant 144 : i32
      %add3A_961 = arith.addi %mul3A_959, %add3A_960 : i32
      %get3A_962 = arith.index_cast %add3A_961 : i32 to index
      %get3A_963 = tpu.vector_load %arg5[%get3A_962] {strides = array<i32>} : memref<4608xf32, #tpu.memory_space<vmem>>, vector<16xf32>,
      %get3A_964 = vector.shape_cast %get3A_963 : vector<16xf32> to vector<16xf32>
      %mul3A_965 = arith.mulf %select_n3A_72, %get3A_964 : vector<16xf32>
      %mul3A_966 = arith.constant 3 : i32
      %mul3A_967 = arith.muli %scan3A_296, %mul3A_966 : i32
      %add3A_968 = arith.constant 1 : i32
      %add3A_969 = arith.addi %mul3A_967, %add3A_968 : i32
      %mul3A_970 = arith.constant 384 : i32
      %mul3A_971 = arith.muli %add3A_969, %mul3A_970 : i32
      %add3A_972 = arith.constant 144 : i32
      %add3A_973 = arith.addi %mul3A_971, %add3A_972 : i32
      %get3A_974 = arith.index_cast %add3A_973 : i32 to index
      %get3A_975 = tpu.vector_load %arg5[%get3A_974] {strides = array<i32>} : memref<4608xf32, #tpu.memory_space<vmem>>, vector<16xf32>,
      %get3A_976 = vector.shape_cast %get3A_975 : vector<16xf32> to vector<16xf32>
      %mul3A_977 = arith.mulf %select_n3A_80, %get3A_976 : vector<16xf32>
      %add3A_978 = arith.addf %mul3A_965, %mul3A_977 : vector<16xf32>
      %mul3A_979 = arith.constant 3 : i32
      %mul3A_980 = arith.muli %scan3A_296, %mul3A_979 : i32
      %add3A_981 = arith.constant 2 : i32
      %add3A_982 = arith.addi %mul3A_980, %add3A_981 : i32
      %mul3A_983 = arith.constant 384 : i32
      %mul3A_984 = arith.muli %add3A_982, %mul3A_983 : i32
      %add3A_985 = arith.constant 144 : i32
      %add3A_986 = arith.addi %mul3A_984, %add3A_985 : i32
      %get3A_987 = arith.index_cast %add3A_986 : i32 to index
      %get3A_988 = tpu.vector_load %arg5[%get3A_987] {strides = array<i32>} : memref<4608xf32, #tpu.memory_space<vmem>>, vector<16xf32>,
      %get3A_989 = vector.shape_cast %get3A_988 : vector<16xf32> to vector<16xf32>
      %mul3A_990 = arith.mulf %select_n3A_88, %get3A_989 : vector<16xf32>
      %add3A_991 = arith.addf %add3A_978, %mul3A_990 : vector<16xf32>
      %mul3A_992 = arith.constant 3 : i32
      %mul3A_993 = arith.muli %scan3A_296, %mul3A_992 : i32
      %add3A_994 = arith.constant 0 : i32
      %add3A_995 = arith.addi %mul3A_993, %add3A_994 : i32
      %mul3A_996 = arith.constant 384 : i32
      %mul3A_997 = arith.muli %add3A_995, %mul3A_996 : i32
      %add3A_998 = arith.constant 160 : i32
      %add3A_999 = arith.addi %mul3A_997, %add3A_998 : i32
      %get3A_1000 = arith.index_cast %add3A_999 : i32 to index
      %get3A_1001 = tpu.vector_load %arg5[%get3A_1000] {strides = array<i32>} : memref<4608xf32, #tpu.memory_space<vmem>>, vector<16xf32>,
      %get3A_1002 = vector.shape_cast %get3A_1001 : vector<16xf32> to vector<16xf32>
      %mul3A_1003 = arith.mulf %select_n3A_121, %get3A_1002 : vector<16xf32>
      %mul3A_1004 = arith.constant 3 : i32
      %mul3A_1005 = arith.muli %scan3A_296, %mul3A_1004 : i32
      %add3A_1006 = arith.constant 1 : i32
      %add3A_1007 = arith.addi %mul3A_1005, %add3A_1006 : i32
      %mul3A_1008 = arith.constant 384 : i32
      %mul3A_1009 = arith.muli %add3A_1007, %mul3A_1008 : i32
      %add3A_1010 = arith.constant 160 : i32
      %add3A_1011 = arith.addi %mul3A_1009, %add3A_1010 : i32
      %get3A_1012 = arith.index_cast %add3A_1011 : i32 to index
      %get3A_1013 = tpu.vector_load %arg5[%get3A_1012] {strides = array<i32>} : memref<4608xf32, #tpu.memory_space<vmem>>, vector<16xf32>,
      %get3A_1014 = vector.shape_cast %get3A_1013 : vector<16xf32> to vector<16xf32>
      %mul3A_1015 = arith.mulf %select_n3A_129, %get3A_1014 : vector<16xf32>
      %add3A_1016 = arith.addf %mul3A_1003, %mul3A_1015 : vector<16xf32>
      %mul3A_1017 = arith.constant 3 : i32
      %mul3A_1018 = arith.muli %scan3A_296, %mul3A_1017 : i32
      %add3A_1019 = arith.constant 2 : i32
      %add3A_1020 = arith.addi %mul3A_1018, %add3A_1019 : i32
      %mul3A_1021 = arith.constant 384 : i32
      %mul3A_1022 = arith.muli %add3A_1020, %mul3A_1021 : i32
      %add3A_1023 = arith.constant 160 : i32
      %add3A_1024 = arith.addi %mul3A_1022, %add3A_1023 : i32
      %get3A_1025 = arith.index_cast %add3A_1024 : i32 to index
      %get3A_1026 = tpu.vector_load %arg5[%get3A_1025] {strides = array<i32>} : memref<4608xf32, #tpu.memory_space<vmem>>, vector<16xf32>,
      %get3A_1027 = vector.shape_cast %get3A_1026 : vector<16xf32> to vector<16xf32>
      %mul3A_1028 = arith.mulf %select_n3A_137, %get3A_1027 : vector<16xf32>
      %add3A_1029 = arith.addf %add3A_1016, %mul3A_1028 : vector<16xf32>
      %mul3A_1030 = arith.constant 3 : i32
      %mul3A_1031 = arith.muli %scan3A_296, %mul3A_1030 : i32
      %add3A_1032 = arith.constant 0 : i32
      %add3A_1033 = arith.addi %mul3A_1031, %add3A_1032 : i32
      %mul3A_1034 = arith.constant 384 : i32
      %mul3A_1035 = arith.muli %add3A_1033, %mul3A_1034 : i32
      %add3A_1036 = arith.constant 176 : i32
      %add3A_1037 = arith.addi %mul3A_1035, %add3A_1036 : i32
      %get3A_1038 = arith.index_cast %add3A_1037 : i32 to index
      %get3A_1039 = tpu.vector_load %arg5[%get3A_1038] {strides = array<i32>} : memref<4608xf32, #tpu.memory_space<vmem>>, vector<16xf32>,
      %get3A_1040 = vector.shape_cast %get3A_1039 : vector<16xf32> to vector<16xf32>
      %mul3A_1041 = arith.mulf %select_n3A_170, %get3A_1040 : vector<16xf32>
      %mul3A_1042 = arith.constant 3 : i32
      %mul3A_1043 = arith.muli %scan3A_296, %mul3A_1042 : i32
      %add3A_1044 = arith.constant 1 : i32
      %add3A_1045 = arith.addi %mul3A_1043, %add3A_1044 : i32
      %mul3A_1046 = arith.constant 384 : i32
      %mul3A_1047 = arith.muli %add3A_1045, %mul3A_1046 : i32
      %add3A_1048 = arith.constant 176 : i32
      %add3A_1049 = arith.addi %mul3A_1047, %add3A_1048 : i32
      %get3A_1050 = arith.index_cast %add3A_1049 : i32 to index
      %get3A_1051 = tpu.vector_load %arg5[%get3A_1050] {strides = array<i32>} : memref<4608xf32, #tpu.memory_space<vmem>>, vector<16xf32>,
      %get3A_1052 = vector.shape_cast %get3A_1051 : vector<16xf32> to vector<16xf32>
      %mul3A_1053 = arith.mulf %select_n3A_178, %get3A_1052 : vector<16xf32>
      %add3A_1054 = arith.addf %mul3A_1041, %mul3A_1053 : vector<16xf32>
      %mul3A_1055 = arith.constant 3 : i32
      %mul3A_1056 = arith.muli %scan3A_296, %mul3A_1055 : i32
      %add3A_1057 = arith.constant 2 : i32
      %add3A_1058 = arith.addi %mul3A_1056, %add3A_1057 : i32
      %mul3A_1059 = arith.constant 384 : i32
      %mul3A_1060 = arith.muli %add3A_1058, %mul3A_1059 : i32
      %add3A_1061 = arith.constant 176 : i32
      %add3A_1062 = arith.addi %mul3A_1060, %add3A_1061 : i32
      %get3A_1063 = arith.index_cast %add3A_1062 : i32 to index
      %get3A_1064 = tpu.vector_load %arg5[%get3A_1063] {strides = array<i32>} : memref<4608xf32, #tpu.memory_space<vmem>>, vector<16xf32>,
      %get3A_1065 = vector.shape_cast %get3A_1064 : vector<16xf32> to vector<16xf32>
      %mul3A_1066 = arith.mulf %select_n3A_186, %get3A_1065 : vector<16xf32>
      %add3A_1067 = arith.addf %add3A_1054, %mul3A_1066 : vector<16xf32>
      %lt3A_1068 = arith.constant 0 : i32
      %lt3A_1069 = vector.broadcast %lt3A_1068 : i32 to vector<16xi32>
      %lt3A_1070 = arith.cmpi slt, %select_n3A_214, %lt3A_1069 : vector<16xi32>
      %add3A_1071 = arith.constant 16 : i32
      %add3A_1072 = vector.broadcast %add3A_1071 : i32 to vector<16xi32>
      %add3A_1073 = arith.addi %select_n3A_214, %add3A_1072 : vector<16xi32>
      %select_n3A_1074 = arith.select %lt3A_1070, %add3A_1073, %select_n3A_214 : vector<16xi1>, vector<16xi32>
      %broadcast_in_dim3A_1075 = vector.shape_cast %select_n3A_1074 : vector<16xi32> to vector<16x1xi32>
      %gather3A_1076 = vector.shape_cast %broadcast_in_dim3A_1075 : vector<16x1xi32> to vector<16xi32>
      %gather3A_1077 = tpu.dynamic_gather %add3A_991[%gather3A_1076] in [0] : vector<16xf32>, vector<16xi32> -> vector<16xf32>
      %lt3A_1078 = arith.constant 0 : i32
      %lt3A_1079 = vector.broadcast %lt3A_1078 : i32 to vector<16xi32>
      %lt3A_1080 = arith.cmpi slt, %select_n3A_214, %lt3A_1079 : vector<16xi32>
      %add3A_1081 = arith.constant 16 : i32
      %add3A_1082 = vector.broadcast %add3A_1081 : i32 to vector<16xi32>
      %add3A_1083 = arith.addi %select_n3A_214, %add3A_1082 : vector<16xi32>
      %select_n3A_1084 = arith.select %lt3A_1080, %add3A_1083, %select_n3A_214 : vector<16xi1>, vector<16xi32>
      %broadcast_in_dim3A_1085 = vector.shape_cast %select_n3A_1084 : vector<16xi32> to vector<16x1xi32>
      %gather3A_1086 = vector.shape_cast %broadcast_in_dim3A_1085 : vector<16x1xi32> to vector<16xi32>
      %gather3A_1087 = tpu.dynamic_gather %add3A_1029[%gather3A_1086] in [0] : vector<16xf32>, vector<16xi32> -> vector<16xf32>
      %lt3A_1088 = arith.constant 0 : i32
      %lt3A_1089 = vector.broadcast %lt3A_1088 : i32 to vector<16xi32>
      %lt3A_1090 = arith.cmpi slt, %select_n3A_214, %lt3A_1089 : vector<16xi32>
      %add3A_1091 = arith.constant 16 : i32
      %add3A_1092 = vector.broadcast %add3A_1091 : i32 to vector<16xi32>
      %add3A_1093 = arith.addi %select_n3A_214, %add3A_1092 : vector<16xi32>
      %select_n3A_1094 = arith.select %lt3A_1090, %add3A_1093, %select_n3A_214 : vector<16xi1>, vector<16xi32>
      %broadcast_in_dim3A_1095 = vector.shape_cast %select_n3A_1094 : vector<16xi32> to vector<16x1xi32>
      %gather3A_1096 = vector.shape_cast %broadcast_in_dim3A_1095 : vector<16x1xi32> to vector<16xi32>
      %gather3A_1097 = tpu.dynamic_gather %add3A_1067[%gather3A_1096] in [0] : vector<16xf32>, vector<16xi32> -> vector<16xf32>
      %select_n3A_1098 = arith.select %lt3A_220, %gather3A_1087, %gather3A_1097 : vector<16xi1>, vector<16xf32>
      %select_n3A_1099 = arith.select %lt3A_217, %gather3A_1077, %select_n3A_1098 : vector<16xi1>, vector<16xf32>
      %lt3A_1100 = arith.constant 0 : i32
      %lt3A_1101 = vector.broadcast %lt3A_1100 : i32 to vector<16xi32>
      %lt3A_1102 = arith.cmpi slt, %select_n3A_248, %lt3A_1101 : vector<16xi32>
      %add3A_1103 = arith.constant 16 : i32
      %add3A_1104 = vector.broadcast %add3A_1103 : i32 to vector<16xi32>
      %add3A_1105 = arith.addi %select_n3A_248, %add3A_1104 : vector<16xi32>
      %select_n3A_1106 = arith.select %lt3A_1102, %add3A_1105, %select_n3A_248 : vector<16xi1>, vector<16xi32>
      %broadcast_in_dim3A_1107 = vector.shape_cast %select_n3A_1106 : vector<16xi32> to vector<16x1xi32>
      %gather3A_1108 = vector.shape_cast %broadcast_in_dim3A_1107 : vector<16x1xi32> to vector<16xi32>
      %gather3A_1109 = tpu.dynamic_gather %add3A_991[%gather3A_1108] in [0] : vector<16xf32>, vector<16xi32> -> vector<16xf32>
      %lt3A_1110 = arith.constant 0 : i32
      %lt3A_1111 = vector.broadcast %lt3A_1110 : i32 to vector<16xi32>
      %lt3A_1112 = arith.cmpi slt, %select_n3A_248, %lt3A_1111 : vector<16xi32>
      %add3A_1113 = arith.constant 16 : i32
      %add3A_1114 = vector.broadcast %add3A_1113 : i32 to vector<16xi32>
      %add3A_1115 = arith.addi %select_n3A_248, %add3A_1114 : vector<16xi32>
      %select_n3A_1116 = arith.select %lt3A_1112, %add3A_1115, %select_n3A_248 : vector<16xi1>, vector<16xi32>
      %broadcast_in_dim3A_1117 = vector.shape_cast %select_n3A_1116 : vector<16xi32> to vector<16x1xi32>
      %gather3A_1118 = vector.shape_cast %broadcast_in_dim3A_1117 : vector<16x1xi32> to vector<16xi32>
      %gather3A_1119 = tpu.dynamic_gather %add3A_1029[%gather3A_1118] in [0] : vector<16xf32>, vector<16xi32> -> vector<16xf32>
      %lt3A_1120 = arith.constant 0 : i32
      %lt3A_1121 = vector.broadcast %lt3A_1120 : i32 to vector<16xi32>
      %lt3A_1122 = arith.cmpi slt, %select_n3A_248, %lt3A_1121 : vector<16xi32>
      %add3A_1123 = arith.constant 16 : i32
      %add3A_1124 = vector.broadcast %add3A_1123 : i32 to vector<16xi32>
      %add3A_1125 = arith.addi %select_n3A_248, %add3A_1124 : vector<16xi32>
      %select_n3A_1126 = arith.select %lt3A_1122, %add3A_1125, %select_n3A_248 : vector<16xi1>, vector<16xi32>
      %broadcast_in_dim3A_1127 = vector.shape_cast %select_n3A_1126 : vector<16xi32> to vector<16x1xi32>
      %gather3A_1128 = vector.shape_cast %broadcast_in_dim3A_1127 : vector<16x1xi32> to vector<16xi32>
      %gather3A_1129 = tpu.dynamic_gather %add3A_1067[%gather3A_1128] in [0] : vector<16xf32>, vector<16xi32> -> vector<16xf32>
      %select_n3A_1130 = arith.select %lt3A_254, %gather3A_1119, %gather3A_1129 : vector<16xi1>, vector<16xf32>
      %select_n3A_1131 = arith.select %lt3A_251, %gather3A_1109, %select_n3A_1130 : vector<16xi1>, vector<16xf32>
      %add3A_1132 = arith.addf %select_n3A_1099, %select_n3A_1131 : vector<16xf32>
      %lt3A_1133 = arith.constant 0 : i32
      %lt3A_1134 = vector.broadcast %lt3A_1133 : i32 to vector<16xi32>
      %lt3A_1135 = arith.cmpi slt, %select_n3A_282, %lt3A_1134 : vector<16xi32>
      %add3A_1136 = arith.constant 16 : i32
      %add3A_1137 = vector.broadcast %add3A_1136 : i32 to vector<16xi32>
      %add3A_1138 = arith.addi %select_n3A_282, %add3A_1137 : vector<16xi32>
      %select_n3A_1139 = arith.select %lt3A_1135, %add3A_1138, %select_n3A_282 : vector<16xi1>, vector<16xi32>
      %broadcast_in_dim3A_1140 = vector.shape_cast %select_n3A_1139 : vector<16xi32> to vector<16x1xi32>
      %gather3A_1141 = vector.shape_cast %broadcast_in_dim3A_1140 : vector<16x1xi32> to vector<16xi32>
      %gather3A_1142 = tpu.dynamic_gather %add3A_991[%gather3A_1141] in [0] : vector<16xf32>, vector<16xi32> -> vector<16xf32>
      %lt3A_1143 = arith.constant 0 : i32
      %lt3A_1144 = vector.broadcast %lt3A_1143 : i32 to vector<16xi32>
      %lt3A_1145 = arith.cmpi slt, %select_n3A_282, %lt3A_1144 : vector<16xi32>
      %add3A_1146 = arith.constant 16 : i32
      %add3A_1147 = vector.broadcast %add3A_1146 : i32 to vector<16xi32>
      %add3A_1148 = arith.addi %select_n3A_282, %add3A_1147 : vector<16xi32>
      %select_n3A_1149 = arith.select %lt3A_1145, %add3A_1148, %select_n3A_282 : vector<16xi1>, vector<16xi32>
      %broadcast_in_dim3A_1150 = vector.shape_cast %select_n3A_1149 : vector<16xi32> to vector<16x1xi32>
      %gather3A_1151 = vector.shape_cast %broadcast_in_dim3A_1150 : vector<16x1xi32> to vector<16xi32>
      %gather3A_1152 = tpu.dynamic_gather %add3A_1029[%gather3A_1151] in [0] : vector<16xf32>, vector<16xi32> -> vector<16xf32>
      %lt3A_1153 = arith.constant 0 : i32
      %lt3A_1154 = vector.broadcast %lt3A_1153 : i32 to vector<16xi32>
      %lt3A_1155 = arith.cmpi slt, %select_n3A_282, %lt3A_1154 : vector<16xi32>
      %add3A_1156 = arith.constant 16 : i32
      %add3A_1157 = vector.broadcast %add3A_1156 : i32 to vector<16xi32>
      %add3A_1158 = arith.addi %select_n3A_282, %add3A_1157 : vector<16xi32>
      %select_n3A_1159 = arith.select %lt3A_1155, %add3A_1158, %select_n3A_282 : vector<16xi1>, vector<16xi32>
      %broadcast_in_dim3A_1160 = vector.shape_cast %select_n3A_1159 : vector<16xi32> to vector<16x1xi32>
      %gather3A_1161 = vector.shape_cast %broadcast_in_dim3A_1160 : vector<16x1xi32> to vector<16xi32>
      %gather3A_1162 = tpu.dynamic_gather %add3A_1067[%gather3A_1161] in [0] : vector<16xf32>, vector<16xi32> -> vector<16xf32>
      %select_n3A_1163 = arith.select %lt3A_288, %gather3A_1152, %gather3A_1162 : vector<16xi1>, vector<16xf32>
      %select_n3A_1164 = arith.select %lt3A_285, %gather3A_1142, %select_n3A_1163 : vector<16xi1>, vector<16xf32>
      %add3A_1165 = arith.addf %add3A_1132, %select_n3A_1164 : vector<16xf32>
      %mul3A_1166 = arith.constant 128 : i32
      %mul3A_1167 = arith.muli %scan3A_296, %mul3A_1166 : i32
      %add3A_1168 = arith.constant 48 : i32
      %add3A_1169 = arith.addi %mul3A_1167, %add3A_1168 : i32
      %swap3A_1170 = arith.index_cast %add3A_1169 : i32 to index
      %swap3A_1171 = tpu.vector_load %arg7[%swap3A_1170] {strides = array<i32>} : memref<512xf32, #tpu.memory_space<vmem>>, vector<16xf32>,
      %swap3A_1172 = vector.shape_cast %swap3A_1171 : vector<16xf32> to vector<16xf32>
      %swap3A_1173 = vector.shape_cast %add3A_1165 : vector<16xf32> to vector<16xf32>
      tpu.vector_store %arg7[%swap3A_1170], %swap3A_1173 {strides = array<i32>} : memref<512xf32, #tpu.memory_space<vmem>>, vector<16xf32>,
      %mul3A_1174 = arith.constant 3 : i32
      %mul3A_1175 = arith.muli %scan3A_296, %mul3A_1174 : i32
      %add3A_1176 = arith.constant 0 : i32
      %add3A_1177 = arith.addi %mul3A_1175, %add3A_1176 : i32
      %mul3A_1178 = arith.constant 384 : i32
      %mul3A_1179 = arith.muli %add3A_1177, %mul3A_1178 : i32
      %add3A_1180 = arith.constant 192 : i32
      %add3A_1181 = arith.addi %mul3A_1179, %add3A_1180 : i32
      %get3A_1182 = arith.index_cast %add3A_1181 : i32 to index
      %get3A_1183 = tpu.vector_load %arg5[%get3A_1182] {strides = array<i32>} : memref<4608xf32, #tpu.memory_space<vmem>>, vector<16xf32>,
      %get3A_1184 = vector.shape_cast %get3A_1183 : vector<16xf32> to vector<16xf32>
      %mul3A_1185 = arith.mulf %select_n3A_72, %get3A_1184 : vector<16xf32>
      %mul3A_1186 = arith.constant 3 : i32
      %mul3A_1187 = arith.muli %scan3A_296, %mul3A_1186 : i32
      %add3A_1188 = arith.constant 1 : i32
      %add3A_1189 = arith.addi %mul3A_1187, %add3A_1188 : i32
      %mul3A_1190 = arith.constant 384 : i32
      %mul3A_1191 = arith.muli %add3A_1189, %mul3A_1190 : i32
      %add3A_1192 = arith.constant 192 : i32
      %add3A_1193 = arith.addi %mul3A_1191, %add3A_1192 : i32
      %get3A_1194 = arith.index_cast %add3A_1193 : i32 to index
      %get3A_1195 = tpu.vector_load %arg5[%get3A_1194] {strides = array<i32>} : memref<4608xf32, #tpu.memory_space<vmem>>, vector<16xf32>,
      %get3A_1196 = vector.shape_cast %get3A_1195 : vector<16xf32> to vector<16xf32>
      %mul3A_1197 = arith.mulf %select_n3A_80, %get3A_1196 : vector<16xf32>
      %add3A_1198 = arith.addf %mul3A_1185, %mul3A_1197 : vector<16xf32>
      %mul3A_1199 = arith.constant 3 : i32
      %mul3A_1200 = arith.muli %scan3A_296, %mul3A_1199 : i32
      %add3A_1201 = arith.constant 2 : i32
      %add3A_1202 = arith.addi %mul3A_1200, %add3A_1201 : i32
      %mul3A_1203 = arith.constant 384 : i32
      %mul3A_1204 = arith.muli %add3A_1202, %mul3A_1203 : i32
      %add3A_1205 = arith.constant 192 : i32
      %add3A_1206 = arith.addi %mul3A_1204, %add3A_1205 : i32
      %get3A_1207 = arith.index_cast %add3A_1206 : i32 to index
      %get3A_1208 = tpu.vector_load %arg5[%get3A_1207] {strides = array<i32>} : memref<4608xf32, #tpu.memory_space<vmem>>, vector<16xf32>,
      %get3A_1209 = vector.shape_cast %get3A_1208 : vector<16xf32> to vector<16xf32>
      %mul3A_1210 = arith.mulf %select_n3A_88, %get3A_1209 : vector<16xf32>
      %add3A_1211 = arith.addf %add3A_1198, %mul3A_1210 : vector<16xf32>
      %mul3A_1212 = arith.constant 3 : i32
      %mul3A_1213 = arith.muli %scan3A_296, %mul3A_1212 : i32
      %add3A_1214 = arith.constant 0 : i32
      %add3A_1215 = arith.addi %mul3A_1213, %add3A_1214 : i32
      %mul3A_1216 = arith.constant 384 : i32
      %mul3A_1217 = arith.muli %add3A_1215, %mul3A_1216 : i32
      %add3A_1218 = arith.constant 208 : i32
      %add3A_1219 = arith.addi %mul3A_1217, %add3A_1218 : i32
      %get3A_1220 = arith.index_cast %add3A_1219 : i32 to index
      %get3A_1221 = tpu.vector_load %arg5[%get3A_1220] {strides = array<i32>} : memref<4608xf32, #tpu.memory_space<vmem>>, vector<16xf32>,
      %get3A_1222 = vector.shape_cast %get3A_1221 : vector<16xf32> to vector<16xf32>
      %mul3A_1223 = arith.mulf %select_n3A_121, %get3A_1222 : vector<16xf32>
      %mul3A_1224 = arith.constant 3 : i32
      %mul3A_1225 = arith.muli %scan3A_296, %mul3A_1224 : i32
      %add3A_1226 = arith.constant 1 : i32
      %add3A_1227 = arith.addi %mul3A_1225, %add3A_1226 : i32
      %mul3A_1228 = arith.constant 384 : i32
      %mul3A_1229 = arith.muli %add3A_1227, %mul3A_1228 : i32
      %add3A_1230 = arith.constant 208 : i32
      %add3A_1231 = arith.addi %mul3A_1229, %add3A_1230 : i32
      %get3A_1232 = arith.index_cast %add3A_1231 : i32 to index
      %get3A_1233 = tpu.vector_load %arg5[%get3A_1232] {strides = array<i32>} : memref<4608xf32, #tpu.memory_space<vmem>>, vector<16xf32>,
      %get3A_1234 = vector.shape_cast %get3A_1233 : vector<16xf32> to vector<16xf32>
      %mul3A_1235 = arith.mulf %select_n3A_129, %get3A_1234 : vector<16xf32>
      %add3A_1236 = arith.addf %mul3A_1223, %mul3A_1235 : vector<16xf32>
      %mul3A_1237 = arith.constant 3 : i32
      %mul3A_1238 = arith.muli %scan3A_296, %mul3A_1237 : i32
      %add3A_1239 = arith.constant 2 : i32
      %add3A_1240 = arith.addi %mul3A_1238, %add3A_1239 : i32
      %mul3A_1241 = arith.constant 384 : i32
      %mul3A_1242 = arith.muli %add3A_1240, %mul3A_1241 : i32
      %add3A_1243 = arith.constant 208 : i32
      %add3A_1244 = arith.addi %mul3A_1242, %add3A_1243 : i32
      %get3A_1245 = arith.index_cast %add3A_1244 : i32 to index
      %get3A_1246 = tpu.vector_load %arg5[%get3A_1245] {strides = array<i32>} : memref<4608xf32, #tpu.memory_space<vmem>>, vector<16xf32>,
      %get3A_1247 = vector.shape_cast %get3A_1246 : vector<16xf32> to vector<16xf32>
      %mul3A_1248 = arith.mulf %select_n3A_137, %get3A_1247 : vector<16xf32>
      %add3A_1249 = arith.addf %add3A_1236, %mul3A_1248 : vector<16xf32>
      %mul3A_1250 = arith.constant 3 : i32
      %mul3A_1251 = arith.muli %scan3A_296, %mul3A_1250 : i32
      %add3A_1252 = arith.constant 0 : i32
      %add3A_1253 = arith.addi %mul3A_1251, %add3A_1252 : i32
      %mul3A_1254 = arith.constant 384 : i32
      %mul3A_1255 = arith.muli %add3A_1253, %mul3A_1254 : i32
      %add3A_1256 = arith.constant 224 : i32
      %add3A_1257 = arith.addi %mul3A_1255, %add3A_1256 : i32
      %get3A_1258 = arith.index_cast %add3A_1257 : i32 to index
      %get3A_1259 = tpu.vector_load %arg5[%get3A_1258] {strides = array<i32>} : memref<4608xf32, #tpu.memory_space<vmem>>, vector<16xf32>,
      %get3A_1260 = vector.shape_cast %get3A_1259 : vector<16xf32> to vector<16xf32>
      %mul3A_1261 = arith.mulf %select_n3A_170, %get3A_1260 : vector<16xf32>
      %mul3A_1262 = arith.constant 3 : i32
      %mul3A_1263 = arith.muli %scan3A_296, %mul3A_1262 : i32
      %add3A_1264 = arith.constant 1 : i32
      %add3A_1265 = arith.addi %mul3A_1263, %add3A_1264 : i32
      %mul3A_1266 = arith.constant 384 : i32
      %mul3A_1267 = arith.muli %add3A_1265, %mul3A_1266 : i32
      %add3A_1268 = arith.constant 224 : i32
      %add3A_1269 = arith.addi %mul3A_1267, %add3A_1268 : i32
      %get3A_1270 = arith.index_cast %add3A_1269 : i32 to index
      %get3A_1271 = tpu.vector_load %arg5[%get3A_1270] {strides = array<i32>} : memref<4608xf32, #tpu.memory_space<vmem>>, vector<16xf32>,
      %get3A_1272 = vector.shape_cast %get3A_1271 : vector<16xf32> to vector<16xf32>
      %mul3A_1273 = arith.mulf %select_n3A_178, %get3A_1272 : vector<16xf32>
      %add3A_1274 = arith.addf %mul3A_1261, %mul3A_1273 : vector<16xf32>
      %mul3A_1275 = arith.constant 3 : i32
      %mul3A_1276 = arith.muli %scan3A_296, %mul3A_1275 : i32
      %add3A_1277 = arith.constant 2 : i32
      %add3A_1278 = arith.addi %mul3A_1276, %add3A_1277 : i32
      %mul3A_1279 = arith.constant 384 : i32
      %mul3A_1280 = arith.muli %add3A_1278, %mul3A_1279 : i32
      %add3A_1281 = arith.constant 224 : i32
      %add3A_1282 = arith.addi %mul3A_1280, %add3A_1281 : i32
      %get3A_1283 = arith.index_cast %add3A_1282 : i32 to index
      %get3A_1284 = tpu.vector_load %arg5[%get3A_1283] {strides = array<i32>} : memref<4608xf32, #tpu.memory_space<vmem>>, vector<16xf32>,
      %get3A_1285 = vector.shape_cast %get3A_1284 : vector<16xf32> to vector<16xf32>
      %mul3A_1286 = arith.mulf %select_n3A_186, %get3A_1285 : vector<16xf32>
      %add3A_1287 = arith.addf %add3A_1274, %mul3A_1286 : vector<16xf32>
      %lt3A_1288 = arith.constant 0 : i32
      %lt3A_1289 = vector.broadcast %lt3A_1288 : i32 to vector<16xi32>
      %lt3A_1290 = arith.cmpi slt, %select_n3A_214, %lt3A_1289 : vector<16xi32>
      %add3A_1291 = arith.constant 16 : i32
      %add3A_1292 = vector.broadcast %add3A_1291 : i32 to vector<16xi32>
      %add3A_1293 = arith.addi %select_n3A_214, %add3A_1292 : vector<16xi32>
      %select_n3A_1294 = arith.select %lt3A_1290, %add3A_1293, %select_n3A_214 : vector<16xi1>, vector<16xi32>
      %broadcast_in_dim3A_1295 = vector.shape_cast %select_n3A_1294 : vector<16xi32> to vector<16x1xi32>
      %gather3A_1296 = vector.shape_cast %broadcast_in_dim3A_1295 : vector<16x1xi32> to vector<16xi32>
      %gather3A_1297 = tpu.dynamic_gather %add3A_1211[%gather3A_1296] in [0] : vector<16xf32>, vector<16xi32> -> vector<16xf32>
      %lt3A_1298 = arith.constant 0 : i32
      %lt3A_1299 = vector.broadcast %lt3A_1298 : i32 to vector<16xi32>
      %lt3A_1300 = arith.cmpi slt, %select_n3A_214, %lt3A_1299 : vector<16xi32>
      %add3A_1301 = arith.constant 16 : i32
      %add3A_1302 = vector.broadcast %add3A_1301 : i32 to vector<16xi32>
      %add3A_1303 = arith.addi %select_n3A_214, %add3A_1302 : vector<16xi32>
      %select_n3A_1304 = arith.select %lt3A_1300, %add3A_1303, %select_n3A_214 : vector<16xi1>, vector<16xi32>
      %broadcast_in_dim3A_1305 = vector.shape_cast %select_n3A_1304 : vector<16xi32> to vector<16x1xi32>
      %gather3A_1306 = vector.shape_cast %broadcast_in_dim3A_1305 : vector<16x1xi32> to vector<16xi32>
      %gather3A_1307 = tpu.dynamic_gather %add3A_1249[%gather3A_1306] in [0] : vector<16xf32>, vector<16xi32> -> vector<16xf32>
      %lt3A_1308 = arith.constant 0 : i32
      %lt3A_1309 = vector.broadcast %lt3A_1308 : i32 to vector<16xi32>
      %lt3A_1310 = arith.cmpi slt, %select_n3A_214, %lt3A_1309 : vector<16xi32>
      %add3A_1311 = arith.constant 16 : i32
      %add3A_1312 = vector.broadcast %add3A_1311 : i32 to vector<16xi32>
      %add3A_1313 = arith.addi %select_n3A_214, %add3A_1312 : vector<16xi32>
      %select_n3A_1314 = arith.select %lt3A_1310, %add3A_1313, %select_n3A_214 : vector<16xi1>, vector<16xi32>
      %broadcast_in_dim3A_1315 = vector.shape_cast %select_n3A_1314 : vector<16xi32> to vector<16x1xi32>
      %gather3A_1316 = vector.shape_cast %broadcast_in_dim3A_1315 : vector<16x1xi32> to vector<16xi32>
      %gather3A_1317 = tpu.dynamic_gather %add3A_1287[%gather3A_1316] in [0] : vector<16xf32>, vector<16xi32> -> vector<16xf32>
      %select_n3A_1318 = arith.select %lt3A_220, %gather3A_1307, %gather3A_1317 : vector<16xi1>, vector<16xf32>
      %select_n3A_1319 = arith.select %lt3A_217, %gather3A_1297, %select_n3A_1318 : vector<16xi1>, vector<16xf32>
      %lt3A_1320 = arith.constant 0 : i32
      %lt3A_1321 = vector.broadcast %lt3A_1320 : i32 to vector<16xi32>
      %lt3A_1322 = arith.cmpi slt, %select_n3A_248, %lt3A_1321 : vector<16xi32>
      %add3A_1323 = arith.constant 16 : i32
      %add3A_1324 = vector.broadcast %add3A_1323 : i32 to vector<16xi32>
      %add3A_1325 = arith.addi %select_n3A_248, %add3A_1324 : vector<16xi32>
      %select_n3A_1326 = arith.select %lt3A_1322, %add3A_1325, %select_n3A_248 : vector<16xi1>, vector<16xi32>
      %broadcast_in_dim3A_1327 = vector.shape_cast %select_n3A_1326 : vector<16xi32> to vector<16x1xi32>
      %gather3A_1328 = vector.shape_cast %broadcast_in_dim3A_1327 : vector<16x1xi32> to vector<16xi32>
      %gather3A_1329 = tpu.dynamic_gather %add3A_1211[%gather3A_1328] in [0] : vector<16xf32>, vector<16xi32> -> vector<16xf32>
      %lt3A_1330 = arith.constant 0 : i32
      %lt3A_1331 = vector.broadcast %lt3A_1330 : i32 to vector<16xi32>
      %lt3A_1332 = arith.cmpi slt, %select_n3A_248, %lt3A_1331 : vector<16xi32>
      %add3A_1333 = arith.constant 16 : i32
      %add3A_1334 = vector.broadcast %add3A_1333 : i32 to vector<16xi32>
      %add3A_1335 = arith.addi %select_n3A_248, %add3A_1334 : vector<16xi32>
      %select_n3A_1336 = arith.select %lt3A_1332, %add3A_1335, %select_n3A_248 : vector<16xi1>, vector<16xi32>
      %broadcast_in_dim3A_1337 = vector.shape_cast %select_n3A_1336 : vector<16xi32> to vector<16x1xi32>
      %gather3A_1338 = vector.shape_cast %broadcast_in_dim3A_1337 : vector<16x1xi32> to vector<16xi32>
      %gather3A_1339 = tpu.dynamic_gather %add3A_1249[%gather3A_1338] in [0] : vector<16xf32>, vector<16xi32> -> vector<16xf32>
      %lt3A_1340 = arith.constant 0 : i32
      %lt3A_1341 = vector.broadcast %lt3A_1340 : i32 to vector<16xi32>
      %lt3A_1342 = arith.cmpi slt, %select_n3A_248, %lt3A_1341 : vector<16xi32>
      %add3A_1343 = arith.constant 16 : i32
      %add3A_1344 = vector.broadcast %add3A_1343 : i32 to vector<16xi32>
      %add3A_1345 = arith.addi %select_n3A_248, %add3A_1344 : vector<16xi32>
      %select_n3A_1346 = arith.select %lt3A_1342, %add3A_1345, %select_n3A_248 : vector<16xi1>, vector<16xi32>
      %broadcast_in_dim3A_1347 = vector.shape_cast %select_n3A_1346 : vector<16xi32> to vector<16x1xi32>
      %gather3A_1348 = vector.shape_cast %broadcast_in_dim3A_1347 : vector<16x1xi32> to vector<16xi32>
      %gather3A_1349 = tpu.dynamic_gather %add3A_1287[%gather3A_1348] in [0] : vector<16xf32>, vector<16xi32> -> vector<16xf32>
      %select_n3A_1350 = arith.select %lt3A_254, %gather3A_1339, %gather3A_1349 : vector<16xi1>, vector<16xf32>
      %select_n3A_1351 = arith.select %lt3A_251, %gather3A_1329, %select_n3A_1350 : vector<16xi1>, vector<16xf32>
      %add3A_1352 = arith.addf %select_n3A_1319, %select_n3A_1351 : vector<16xf32>
      %lt3A_1353 = arith.constant 0 : i32
      %lt3A_1354 = vector.broadcast %lt3A_1353 : i32 to vector<16xi32>
      %lt3A_1355 = arith.cmpi slt, %select_n3A_282, %lt3A_1354 : vector<16xi32>
      %add3A_1356 = arith.constant 16 : i32
      %add3A_1357 = vector.broadcast %add3A_1356 : i32 to vector<16xi32>
      %add3A_1358 = arith.addi %select_n3A_282, %add3A_1357 : vector<16xi32>
      %select_n3A_1359 = arith.select %lt3A_1355, %add3A_1358, %select_n3A_282 : vector<16xi1>, vector<16xi32>
      %broadcast_in_dim3A_1360 = vector.shape_cast %select_n3A_1359 : vector<16xi32> to vector<16x1xi32>
      %gather3A_1361 = vector.shape_cast %broadcast_in_dim3A_1360 : vector<16x1xi32> to vector<16xi32>
      %gather3A_1362 = tpu.dynamic_gather %add3A_1211[%gather3A_1361] in [0] : vector<16xf32>, vector<16xi32> -> vector<16xf32>
      %lt3A_1363 = arith.constant 0 : i32
      %lt3A_1364 = vector.broadcast %lt3A_1363 : i32 to vector<16xi32>
      %lt3A_1365 = arith.cmpi slt, %select_n3A_282, %lt3A_1364 : vector<16xi32>
      %add3A_1366 = arith.constant 16 : i32
      %add3A_1367 = vector.broadcast %add3A_1366 : i32 to vector<16xi32>
      %add3A_1368 = arith.addi %select_n3A_282, %add3A_1367 : vector<16xi32>
      %select_n3A_1369 = arith.select %lt3A_1365, %add3A_1368, %select_n3A_282 : vector<16xi1>, vector<16xi32>
      %broadcast_in_dim3A_1370 = vector.shape_cast %select_n3A_1369 : vector<16xi32> to vector<16x1xi32>
      %gather3A_1371 = vector.shape_cast %broadcast_in_dim3A_1370 : vector<16x1xi32> to vector<16xi32>
      %gather3A_1372 = tpu.dynamic_gather %add3A_1249[%gather3A_1371] in [0] : vector<16xf32>, vector<16xi32> -> vector<16xf32>
      %lt3A_1373 = arith.constant 0 : i32
      %lt3A_1374 = vector.broadcast %lt3A_1373 : i32 to vector<16xi32>
      %lt3A_1375 = arith.cmpi slt, %select_n3A_282, %lt3A_1374 : vector<16xi32>
      %add3A_1376 = arith.constant 16 : i32
      %add3A_1377 = vector.broadcast %add3A_1376 : i32 to vector<16xi32>
      %add3A_1378 = arith.addi %select_n3A_282, %add3A_1377 : vector<16xi32>
      %select_n3A_1379 = arith.select %lt3A_1375, %add3A_1378, %select_n3A_282 : vector<16xi1>, vector<16xi32>
      %broadcast_in_dim3A_1380 = vector.shape_cast %select_n3A_1379 : vector<16xi32> to vector<16x1xi32>
      %gather3A_1381 = vector.shape_cast %broadcast_in_dim3A_1380 : vector<16x1xi32> to vector<16xi32>
      %gather3A_1382 = tpu.dynamic_gather %add3A_1287[%gather3A_1381] in [0] : vector<16xf32>, vector<16xi32> -> vector<16xf32>
      %select_n3A_1383 = arith.select %lt3A_288, %gather3A_1372, %gather3A_1382 : vector<16xi1>, vector<16xf32>
      %select_n3A_1384 = arith.select %lt3A_285, %gather3A_1362, %select_n3A_1383 : vector<16xi1>, vector<16xf32>
      %add3A_1385 = arith.addf %add3A_1352, %select_n3A_1384 : vector<16xf32>
      %mul3A_1386 = arith.constant 128 : i32
      %mul3A_1387 = arith.muli %scan3A_296, %mul3A_1386 : i32
      %add3A_1388 = arith.constant 64 : i32
      %add3A_1389 = arith.addi %mul3A_1387, %add3A_1388 : i32
      %swap3A_1390 = arith.index_cast %add3A_1389 : i32 to index
      %swap3A_1391 = tpu.vector_load %arg7[%swap3A_1390] {strides = array<i32>} : memref<512xf32, #tpu.memory_space<vmem>>, vector<16xf32>,
      %swap3A_1392 = vector.shape_cast %swap3A_1391 : vector<16xf32> to vector<16xf32>
      %swap3A_1393 = vector.shape_cast %add3A_1385 : vector<16xf32> to vector<16xf32>
      tpu.vector_store %arg7[%swap3A_1390], %swap3A_1393 {strides = array<i32>} : memref<512xf32, #tpu.memory_space<vmem>>, vector<16xf32>,
      %mul3A_1394 = arith.constant 3 : i32
      %mul3A_1395 = arith.muli %scan3A_296, %mul3A_1394 : i32
      %add3A_1396 = arith.constant 0 : i32
      %add3A_1397 = arith.addi %mul3A_1395, %add3A_1396 : i32
      %mul3A_1398 = arith.constant 384 : i32
      %mul3A_1399 = arith.muli %add3A_1397, %mul3A_1398 : i32
      %add3A_1400 = arith.constant 240 : i32
      %add3A_1401 = arith.addi %mul3A_1399, %add3A_1400 : i32
      %get3A_1402 = arith.index_cast %add3A_1401 : i32 to index
      %get3A_1403 = tpu.vector_load %arg5[%get3A_1402] {strides = array<i32>} : memref<4608xf32, #tpu.memory_space<vmem>>, vector<16xf32>,
      %get3A_1404 = vector.shape_cast %get3A_1403 : vector<16xf32> to vector<16xf32>
      %mul3A_1405 = arith.mulf %select_n3A_72, %get3A_1404 : vector<16xf32>
      %mul3A_1406 = arith.constant 3 : i32
      %mul3A_1407 = arith.muli %scan3A_296, %mul3A_1406 : i32
      %add3A_1408 = arith.constant 1 : i32
      %add3A_1409 = arith.addi %mul3A_1407, %add3A_1408 : i32
      %mul3A_1410 = arith.constant 384 : i32
      %mul3A_1411 = arith.muli %add3A_1409, %mul3A_1410 : i32
      %add3A_1412 = arith.constant 240 : i32
      %add3A_1413 = arith.addi %mul3A_1411, %add3A_1412 : i32
      %get3A_1414 = arith.index_cast %add3A_1413 : i32 to index
      %get3A_1415 = tpu.vector_load %arg5[%get3A_1414] {strides = array<i32>} : memref<4608xf32, #tpu.memory_space<vmem>>, vector<16xf32>,
      %get3A_1416 = vector.shape_cast %get3A_1415 : vector<16xf32> to vector<16xf32>
      %mul3A_1417 = arith.mulf %select_n3A_80, %get3A_1416 : vector<16xf32>
      %add3A_1418 = arith.addf %mul3A_1405, %mul3A_1417 : vector<16xf32>
      %mul3A_1419 = arith.constant 3 : i32
      %mul3A_1420 = arith.muli %scan3A_296, %mul3A_1419 : i32
      %add3A_1421 = arith.constant 2 : i32
      %add3A_1422 = arith.addi %mul3A_1420, %add3A_1421 : i32
      %mul3A_1423 = arith.constant 384 : i32
      %mul3A_1424 = arith.muli %add3A_1422, %mul3A_1423 : i32
      %add3A_1425 = arith.constant 240 : i32
      %add3A_1426 = arith.addi %mul3A_1424, %add3A_1425 : i32
      %get3A_1427 = arith.index_cast %add3A_1426 : i32 to index
      %get3A_1428 = tpu.vector_load %arg5[%get3A_1427] {strides = array<i32>} : memref<4608xf32, #tpu.memory_space<vmem>>, vector<16xf32>,
      %get3A_1429 = vector.shape_cast %get3A_1428 : vector<16xf32> to vector<16xf32>
      %mul3A_1430 = arith.mulf %select_n3A_88, %get3A_1429 : vector<16xf32>
      %add3A_1431 = arith.addf %add3A_1418, %mul3A_1430 : vector<16xf32>
      %mul3A_1432 = arith.constant 3 : i32
      %mul3A_1433 = arith.muli %scan3A_296, %mul3A_1432 : i32
      %add3A_1434 = arith.constant 0 : i32
      %add3A_1435 = arith.addi %mul3A_1433, %add3A_1434 : i32
      %mul3A_1436 = arith.constant 384 : i32
      %mul3A_1437 = arith.muli %add3A_1435, %mul3A_1436 : i32
      %add3A_1438 = arith.constant 256 : i32
      %add3A_1439 = arith.addi %mul3A_1437, %add3A_1438 : i32
      %get3A_1440 = arith.index_cast %add3A_1439 : i32 to index
      %get3A_1441 = tpu.vector_load %arg5[%get3A_1440] {strides = array<i32>} : memref<4608xf32, #tpu.memory_space<vmem>>, vector<16xf32>,
      %get3A_1442 = vector.shape_cast %get3A_1441 : vector<16xf32> to vector<16xf32>
      %mul3A_1443 = arith.mulf %select_n3A_121, %get3A_1442 : vector<16xf32>
      %mul3A_1444 = arith.constant 3 : i32
      %mul3A_1445 = arith.muli %scan3A_296, %mul3A_1444 : i32
      %add3A_1446 = arith.constant 1 : i32
      %add3A_1447 = arith.addi %mul3A_1445, %add3A_1446 : i32
      %mul3A_1448 = arith.constant 384 : i32
      %mul3A_1449 = arith.muli %add3A_1447, %mul3A_1448 : i32
      %add3A_1450 = arith.constant 256 : i32
      %add3A_1451 = arith.addi %mul3A_1449, %add3A_1450 : i32
      %get3A_1452 = arith.index_cast %add3A_1451 : i32 to index
      %get3A_1453 = tpu.vector_load %arg5[%get3A_1452] {strides = array<i32>} : memref<4608xf32, #tpu.memory_space<vmem>>, vector<16xf32>,
      %get3A_1454 = vector.shape_cast %get3A_1453 : vector<16xf32> to vector<16xf32>
      %mul3A_1455 = arith.mulf %select_n3A_129, %get3A_1454 : vector<16xf32>
      %add3A_1456 = arith.addf %mul3A_1443, %mul3A_1455 : vector<16xf32>
      %mul3A_1457 = arith.constant 3 : i32
      %mul3A_1458 = arith.muli %scan3A_296, %mul3A_1457 : i32
      %add3A_1459 = arith.constant 2 : i32
      %add3A_1460 = arith.addi %mul3A_1458, %add3A_1459 : i32
      %mul3A_1461 = arith.constant 384 : i32
      %mul3A_1462 = arith.muli %add3A_1460, %mul3A_1461 : i32
      %add3A_1463 = arith.constant 256 : i32
      %add3A_1464 = arith.addi %mul3A_1462, %add3A_1463 : i32
      %get3A_1465 = arith.index_cast %add3A_1464 : i32 to index
      %get3A_1466 = tpu.vector_load %arg5[%get3A_1465] {strides = array<i32>} : memref<4608xf32, #tpu.memory_space<vmem>>, vector<16xf32>,
      %get3A_1467 = vector.shape_cast %get3A_1466 : vector<16xf32> to vector<16xf32>
      %mul3A_1468 = arith.mulf %select_n3A_137, %get3A_1467 : vector<16xf32>
      %add3A_1469 = arith.addf %add3A_1456, %mul3A_1468 : vector<16xf32>
      %mul3A_1470 = arith.constant 3 : i32
      %mul3A_1471 = arith.muli %scan3A_296, %mul3A_1470 : i32
      %add3A_1472 = arith.constant 0 : i32
      %add3A_1473 = arith.addi %mul3A_1471, %add3A_1472 : i32
      %mul3A_1474 = arith.constant 384 : i32
      %mul3A_1475 = arith.muli %add3A_1473, %mul3A_1474 : i32
      %add3A_1476 = arith.constant 272 : i32
      %add3A_1477 = arith.addi %mul3A_1475, %add3A_1476 : i32
      %get3A_1478 = arith.index_cast %add3A_1477 : i32 to index
      %get3A_1479 = tpu.vector_load %arg5[%get3A_1478] {strides = array<i32>} : memref<4608xf32, #tpu.memory_space<vmem>>, vector<16xf32>,
      %get3A_1480 = vector.shape_cast %get3A_1479 : vector<16xf32> to vector<16xf32>
      %mul3A_1481 = arith.mulf %select_n3A_170, %get3A_1480 : vector<16xf32>
      %mul3A_1482 = arith.constant 3 : i32
      %mul3A_1483 = arith.muli %scan3A_296, %mul3A_1482 : i32
      %add3A_1484 = arith.constant 1 : i32
      %add3A_1485 = arith.addi %mul3A_1483, %add3A_1484 : i32
      %mul3A_1486 = arith.constant 384 : i32
      %mul3A_1487 = arith.muli %add3A_1485, %mul3A_1486 : i32
      %add3A_1488 = arith.constant 272 : i32
      %add3A_1489 = arith.addi %mul3A_1487, %add3A_1488 : i32
      %get3A_1490 = arith.index_cast %add3A_1489 : i32 to index
      %get3A_1491 = tpu.vector_load %arg5[%get3A_1490] {strides = array<i32>} : memref<4608xf32, #tpu.memory_space<vmem>>, vector<16xf32>,
      %get3A_1492 = vector.shape_cast %get3A_1491 : vector<16xf32> to vector<16xf32>
      %mul3A_1493 = arith.mulf %select_n3A_178, %get3A_1492 : vector<16xf32>
      %add3A_1494 = arith.addf %mul3A_1481, %mul3A_1493 : vector<16xf32>
      %mul3A_1495 = arith.constant 3 : i32
      %mul3A_1496 = arith.muli %scan3A_296, %mul3A_1495 : i32
      %add3A_1497 = arith.constant 2 : i32
      %add3A_1498 = arith.addi %mul3A_1496, %add3A_1497 : i32
      %mul3A_1499 = arith.constant 384 : i32
      %mul3A_1500 = arith.muli %add3A_1498, %mul3A_1499 : i32
      %add3A_1501 = arith.constant 272 : i32
      %add3A_1502 = arith.addi %mul3A_1500, %add3A_1501 : i32
      %get3A_1503 = arith.index_cast %add3A_1502 : i32 to index
      %get3A_1504 = tpu.vector_load %arg5[%get3A_1503] {strides = array<i32>} : memref<4608xf32, #tpu.memory_space<vmem>>, vector<16xf32>,
      %get3A_1505 = vector.shape_cast %get3A_1504 : vector<16xf32> to vector<16xf32>
      %mul3A_1506 = arith.mulf %select_n3A_186, %get3A_1505 : vector<16xf32>
      %add3A_1507 = arith.addf %add3A_1494, %mul3A_1506 : vector<16xf32>
      %lt3A_1508 = arith.constant 0 : i32
      %lt3A_1509 = vector.broadcast %lt3A_1508 : i32 to vector<16xi32>
      %lt3A_1510 = arith.cmpi slt, %select_n3A_214, %lt3A_1509 : vector<16xi32>
      %add3A_1511 = arith.constant 16 : i32
      %add3A_1512 = vector.broadcast %add3A_1511 : i32 to vector<16xi32>
      %add3A_1513 = arith.addi %select_n3A_214, %add3A_1512 : vector<16xi32>
      %select_n3A_1514 = arith.select %lt3A_1510, %add3A_1513, %select_n3A_214 : vector<16xi1>, vector<16xi32>
      %broadcast_in_dim3A_1515 = vector.shape_cast %select_n3A_1514 : vector<16xi32> to vector<16x1xi32>
      %gather3A_1516 = vector.shape_cast %broadcast_in_dim3A_1515 : vector<16x1xi32> to vector<16xi32>
      %gather3A_1517 = tpu.dynamic_gather %add3A_1431[%gather3A_1516] in [0] : vector<16xf32>, vector<16xi32> -> vector<16xf32>
      %lt3A_1518 = arith.constant 0 : i32
      %lt3A_1519 = vector.broadcast %lt3A_1518 : i32 to vector<16xi32>
      %lt3A_1520 = arith.cmpi slt, %select_n3A_214, %lt3A_1519 : vector<16xi32>
      %add3A_1521 = arith.constant 16 : i32
      %add3A_1522 = vector.broadcast %add3A_1521 : i32 to vector<16xi32>
      %add3A_1523 = arith.addi %select_n3A_214, %add3A_1522 : vector<16xi32>
      %select_n3A_1524 = arith.select %lt3A_1520, %add3A_1523, %select_n3A_214 : vector<16xi1>, vector<16xi32>
      %broadcast_in_dim3A_1525 = vector.shape_cast %select_n3A_1524 : vector<16xi32> to vector<16x1xi32>
      %gather3A_1526 = vector.shape_cast %broadcast_in_dim3A_1525 : vector<16x1xi32> to vector<16xi32>
      %gather3A_1527 = tpu.dynamic_gather %add3A_1469[%gather3A_1526] in [0] : vector<16xf32>, vector<16xi32> -> vector<16xf32>
      %lt3A_1528 = arith.constant 0 : i32
      %lt3A_1529 = vector.broadcast %lt3A_1528 : i32 to vector<16xi32>
      %lt3A_1530 = arith.cmpi slt, %select_n3A_214, %lt3A_1529 : vector<16xi32>
      %add3A_1531 = arith.constant 16 : i32
      %add3A_1532 = vector.broadcast %add3A_1531 : i32 to vector<16xi32>
      %add3A_1533 = arith.addi %select_n3A_214, %add3A_1532 : vector<16xi32>
      %select_n3A_1534 = arith.select %lt3A_1530, %add3A_1533, %select_n3A_214 : vector<16xi1>, vector<16xi32>
      %broadcast_in_dim3A_1535 = vector.shape_cast %select_n3A_1534 : vector<16xi32> to vector<16x1xi32>
      %gather3A_1536 = vector.shape_cast %broadcast_in_dim3A_1535 : vector<16x1xi32> to vector<16xi32>
      %gather3A_1537 = tpu.dynamic_gather %add3A_1507[%gather3A_1536] in [0] : vector<16xf32>, vector<16xi32> -> vector<16xf32>
      %select_n3A_1538 = arith.select %lt3A_220, %gather3A_1527, %gather3A_1537 : vector<16xi1>, vector<16xf32>
      %select_n3A_1539 = arith.select %lt3A_217, %gather3A_1517, %select_n3A_1538 : vector<16xi1>, vector<16xf32>
      %lt3A_1540 = arith.constant 0 : i32
      %lt3A_1541 = vector.broadcast %lt3A_1540 : i32 to vector<16xi32>
      %lt3A_1542 = arith.cmpi slt, %select_n3A_248, %lt3A_1541 : vector<16xi32>
      %add3A_1543 = arith.constant 16 : i32
      %add3A_1544 = vector.broadcast %add3A_1543 : i32 to vector<16xi32>
      %add3A_1545 = arith.addi %select_n3A_248, %add3A_1544 : vector<16xi32>
      %select_n3A_1546 = arith.select %lt3A_1542, %add3A_1545, %select_n3A_248 : vector<16xi1>, vector<16xi32>
      %broadcast_in_dim3A_1547 = vector.shape_cast %select_n3A_1546 : vector<16xi32> to vector<16x1xi32>
      %gather3A_1548 = vector.shape_cast %broadcast_in_dim3A_1547 : vector<16x1xi32> to vector<16xi32>
      %gather3A_1549 = tpu.dynamic_gather %add3A_1431[%gather3A_1548] in [0] : vector<16xf32>, vector<16xi32> -> vector<16xf32>
      %lt3A_1550 = arith.constant 0 : i32
      %lt3A_1551 = vector.broadcast %lt3A_1550 : i32 to vector<16xi32>
      %lt3A_1552 = arith.cmpi slt, %select_n3A_248, %lt3A_1551 : vector<16xi32>
      %add3A_1553 = arith.constant 16 : i32
      %add3A_1554 = vector.broadcast %add3A_1553 : i32 to vector<16xi32>
      %add3A_1555 = arith.addi %select_n3A_248, %add3A_1554 : vector<16xi32>
      %select_n3A_1556 = arith.select %lt3A_1552, %add3A_1555, %select_n3A_248 : vector<16xi1>, vector<16xi32>
      %broadcast_in_dim3A_1557 = vector.shape_cast %select_n3A_1556 : vector<16xi32> to vector<16x1xi32>
      %gather3A_1558 = vector.shape_cast %broadcast_in_dim3A_1557 : vector<16x1xi32> to vector<16xi32>
      %gather3A_1559 = tpu.dynamic_gather %add3A_1469[%gather3A_1558] in [0] : vector<16xf32>, vector<16xi32> -> vector<16xf32>
      %lt3A_1560 = arith.constant 0 : i32
      %lt3A_1561 = vector.broadcast %lt3A_1560 : i32 to vector<16xi32>
      %lt3A_1562 = arith.cmpi slt, %select_n3A_248, %lt3A_1561 : vector<16xi32>
      %add3A_1563 = arith.constant 16 : i32
      %add3A_1564 = vector.broadcast %add3A_1563 : i32 to vector<16xi32>
      %add3A_1565 = arith.addi %select_n3A_248, %add3A_1564 : vector<16xi32>
      %select_n3A_1566 = arith.select %lt3A_1562, %add3A_1565, %select_n3A_248 : vector<16xi1>, vector<16xi32>
      %broadcast_in_dim3A_1567 = vector.shape_cast %select_n3A_1566 : vector<16xi32> to vector<16x1xi32>
      %gather3A_1568 = vector.shape_cast %broadcast_in_dim3A_1567 : vector<16x1xi32> to vector<16xi32>
      %gather3A_1569 = tpu.dynamic_gather %add3A_1507[%gather3A_1568] in [0] : vector<16xf32>, vector<16xi32> -> vector<16xf32>
      %select_n3A_1570 = arith.select %lt3A_254, %gather3A_1559, %gather3A_1569 : vector<16xi1>, vector<16xf32>
      %select_n3A_1571 = arith.select %lt3A_251, %gather3A_1549, %select_n3A_1570 : vector<16xi1>, vector<16xf32>
      %add3A_1572 = arith.addf %select_n3A_1539, %select_n3A_1571 : vector<16xf32>
      %lt3A_1573 = arith.constant 0 : i32
      %lt3A_1574 = vector.broadcast %lt3A_1573 : i32 to vector<16xi32>
      %lt3A_1575 = arith.cmpi slt, %select_n3A_282, %lt3A_1574 : vector<16xi32>
      %add3A_1576 = arith.constant 16 : i32
      %add3A_1577 = vector.broadcast %add3A_1576 : i32 to vector<16xi32>
      %add3A_1578 = arith.addi %select_n3A_282, %add3A_1577 : vector<16xi32>
      %select_n3A_1579 = arith.select %lt3A_1575, %add3A_1578, %select_n3A_282 : vector<16xi1>, vector<16xi32>
      %broadcast_in_dim3A_1580 = vector.shape_cast %select_n3A_1579 : vector<16xi32> to vector<16x1xi32>
      %gather3A_1581 = vector.shape_cast %broadcast_in_dim3A_1580 : vector<16x1xi32> to vector<16xi32>
      %gather3A_1582 = tpu.dynamic_gather %add3A_1431[%gather3A_1581] in [0] : vector<16xf32>, vector<16xi32> -> vector<16xf32>
      %lt3A_1583 = arith.constant 0 : i32
      %lt3A_1584 = vector.broadcast %lt3A_1583 : i32 to vector<16xi32>
      %lt3A_1585 = arith.cmpi slt, %select_n3A_282, %lt3A_1584 : vector<16xi32>
      %add3A_1586 = arith.constant 16 : i32
      %add3A_1587 = vector.broadcast %add3A_1586 : i32 to vector<16xi32>
      %add3A_1588 = arith.addi %select_n3A_282, %add3A_1587 : vector<16xi32>
      %select_n3A_1589 = arith.select %lt3A_1585, %add3A_1588, %select_n3A_282 : vector<16xi1>, vector<16xi32>
      %broadcast_in_dim3A_1590 = vector.shape_cast %select_n3A_1589 : vector<16xi32> to vector<16x1xi32>
      %gather3A_1591 = vector.shape_cast %broadcast_in_dim3A_1590 : vector<16x1xi32> to vector<16xi32>
      %gather3A_1592 = tpu.dynamic_gather %add3A_1469[%gather3A_1591] in [0] : vector<16xf32>, vector<16xi32> -> vector<16xf32>
      %lt3A_1593 = arith.constant 0 : i32
      %lt3A_1594 = vector.broadcast %lt3A_1593 : i32 to vector<16xi32>
      %lt3A_1595 = arith.cmpi slt, %select_n3A_282, %lt3A_1594 : vector<16xi32>
      %add3A_1596 = arith.constant 16 : i32
      %add3A_1597 = vector.broadcast %add3A_1596 : i32 to vector<16xi32>
      %add3A_1598 = arith.addi %select_n3A_282, %add3A_1597 : vector<16xi32>
      %select_n3A_1599 = arith.select %lt3A_1595, %add3A_1598, %select_n3A_282 : vector<16xi1>, vector<16xi32>
      %broadcast_in_dim3A_1600 = vector.shape_cast %select_n3A_1599 : vector<16xi32> to vector<16x1xi32>
      %gather3A_1601 = vector.shape_cast %broadcast_in_dim3A_1600 : vector<16x1xi32> to vector<16xi32>
      %gather3A_1602 = tpu.dynamic_gather %add3A_1507[%gather3A_1601] in [0] : vector<16xf32>, vector<16xi32> -> vector<16xf32>
      %select_n3A_1603 = arith.select %lt3A_288, %gather3A_1592, %gather3A_1602 : vector<16xi1>, vector<16xf32>
      %select_n3A_1604 = arith.select %lt3A_285, %gather3A_1582, %select_n3A_1603 : vector<16xi1>, vector<16xf32>
      %add3A_1605 = arith.addf %add3A_1572, %select_n3A_1604 : vector<16xf32>
      %mul3A_1606 = arith.constant 128 : i32
      %mul3A_1607 = arith.muli %scan3A_296, %mul3A_1606 : i32
      %add3A_1608 = arith.constant 80 : i32
      %add3A_1609 = arith.addi %mul3A_1607, %add3A_1608 : i32
      %swap3A_1610 = arith.index_cast %add3A_1609 : i32 to index
      %swap3A_1611 = tpu.vector_load %arg7[%swap3A_1610] {strides = array<i32>} : memref<512xf32, #tpu.memory_space<vmem>>, vector<16xf32>,
      %swap3A_1612 = vector.shape_cast %swap3A_1611 : vector<16xf32> to vector<16xf32>
      %swap3A_1613 = vector.shape_cast %add3A_1605 : vector<16xf32> to vector<16xf32>
      tpu.vector_store %arg7[%swap3A_1610], %swap3A_1613 {strides = array<i32>} : memref<512xf32, #tpu.memory_space<vmem>>, vector<16xf32>,
      %mul3A_1614 = arith.constant 3 : i32
      %mul3A_1615 = arith.muli %scan3A_296, %mul3A_1614 : i32
      %add3A_1616 = arith.constant 0 : i32
      %add3A_1617 = arith.addi %mul3A_1615, %add3A_1616 : i32
      %mul3A_1618 = arith.constant 384 : i32
      %mul3A_1619 = arith.muli %add3A_1617, %mul3A_1618 : i32
      %add3A_1620 = arith.constant 288 : i32
      %add3A_1621 = arith.addi %mul3A_1619, %add3A_1620 : i32
      %get3A_1622 = arith.index_cast %add3A_1621 : i32 to index
      %get3A_1623 = tpu.vector_load %arg5[%get3A_1622] {strides = array<i32>} : memref<4608xf32, #tpu.memory_space<vmem>>, vector<16xf32>,
      %get3A_1624 = vector.shape_cast %get3A_1623 : vector<16xf32> to vector<16xf32>
      %mul3A_1625 = arith.mulf %select_n3A_72, %get3A_1624 : vector<16xf32>
      %mul3A_1626 = arith.constant 3 : i32
      %mul3A_1627 = arith.muli %scan3A_296, %mul3A_1626 : i32
      %add3A_1628 = arith.constant 1 : i32
      %add3A_1629 = arith.addi %mul3A_1627, %add3A_1628 : i32
      %mul3A_1630 = arith.constant 384 : i32
      %mul3A_1631 = arith.muli %add3A_1629, %mul3A_1630 : i32
      %add3A_1632 = arith.constant 288 : i32
      %add3A_1633 = arith.addi %mul3A_1631, %add3A_1632 : i32
      %get3A_1634 = arith.index_cast %add3A_1633 : i32 to index
      %get3A_1635 = tpu.vector_load %arg5[%get3A_1634] {strides = array<i32>} : memref<4608xf32, #tpu.memory_space<vmem>>, vector<16xf32>,
      %get3A_1636 = vector.shape_cast %get3A_1635 : vector<16xf32> to vector<16xf32>
      %mul3A_1637 = arith.mulf %select_n3A_80, %get3A_1636 : vector<16xf32>
      %add3A_1638 = arith.addf %mul3A_1625, %mul3A_1637 : vector<16xf32>
      %mul3A_1639 = arith.constant 3 : i32
      %mul3A_1640 = arith.muli %scan3A_296, %mul3A_1639 : i32
      %add3A_1641 = arith.constant 2 : i32
      %add3A_1642 = arith.addi %mul3A_1640, %add3A_1641 : i32
      %mul3A_1643 = arith.constant 384 : i32
      %mul3A_1644 = arith.muli %add3A_1642, %mul3A_1643 : i32
      %add3A_1645 = arith.constant 288 : i32
      %add3A_1646 = arith.addi %mul3A_1644, %add3A_1645 : i32
      %get3A_1647 = arith.index_cast %add3A_1646 : i32 to index
      %get3A_1648 = tpu.vector_load %arg5[%get3A_1647] {strides = array<i32>} : memref<4608xf32, #tpu.memory_space<vmem>>, vector<16xf32>,
      %get3A_1649 = vector.shape_cast %get3A_1648 : vector<16xf32> to vector<16xf32>
      %mul3A_1650 = arith.mulf %select_n3A_88, %get3A_1649 : vector<16xf32>
      %add3A_1651 = arith.addf %add3A_1638, %mul3A_1650 : vector<16xf32>
      %mul3A_1652 = arith.constant 3 : i32
      %mul3A_1653 = arith.muli %scan3A_296, %mul3A_1652 : i32
      %add3A_1654 = arith.constant 0 : i32
      %add3A_1655 = arith.addi %mul3A_1653, %add3A_1654 : i32
      %mul3A_1656 = arith.constant 384 : i32
      %mul3A_1657 = arith.muli %add3A_1655, %mul3A_1656 : i32
      %add3A_1658 = arith.constant 304 : i32
      %add3A_1659 = arith.addi %mul3A_1657, %add3A_1658 : i32
      %get3A_1660 = arith.index_cast %add3A_1659 : i32 to index
      %get3A_1661 = tpu.vector_load %arg5[%get3A_1660] {strides = array<i32>} : memref<4608xf32, #tpu.memory_space<vmem>>, vector<16xf32>,
      %get3A_1662 = vector.shape_cast %get3A_1661 : vector<16xf32> to vector<16xf32>
      %mul3A_1663 = arith.mulf %select_n3A_121, %get3A_1662 : vector<16xf32>
      %mul3A_1664 = arith.constant 3 : i32
      %mul3A_1665 = arith.muli %scan3A_296, %mul3A_1664 : i32
      %add3A_1666 = arith.constant 1 : i32
      %add3A_1667 = arith.addi %mul3A_1665, %add3A_1666 : i32
      %mul3A_1668 = arith.constant 384 : i32
      %mul3A_1669 = arith.muli %add3A_1667, %mul3A_1668 : i32
      %add3A_1670 = arith.constant 304 : i32
      %add3A_1671 = arith.addi %mul3A_1669, %add3A_1670 : i32
      %get3A_1672 = arith.index_cast %add3A_1671 : i32 to index
      %get3A_1673 = tpu.vector_load %arg5[%get3A_1672] {strides = array<i32>} : memref<4608xf32, #tpu.memory_space<vmem>>, vector<16xf32>,
      %get3A_1674 = vector.shape_cast %get3A_1673 : vector<16xf32> to vector<16xf32>
      %mul3A_1675 = arith.mulf %select_n3A_129, %get3A_1674 : vector<16xf32>
      %add3A_1676 = arith.addf %mul3A_1663, %mul3A_1675 : vector<16xf32>
      %mul3A_1677 = arith.constant 3 : i32
      %mul3A_1678 = arith.muli %scan3A_296, %mul3A_1677 : i32
      %add3A_1679 = arith.constant 2 : i32
      %add3A_1680 = arith.addi %mul3A_1678, %add3A_1679 : i32
      %mul3A_1681 = arith.constant 384 : i32
      %mul3A_1682 = arith.muli %add3A_1680, %mul3A_1681 : i32
      %add3A_1683 = arith.constant 304 : i32
      %add3A_1684 = arith.addi %mul3A_1682, %add3A_1683 : i32
      %get3A_1685 = arith.index_cast %add3A_1684 : i32 to index
      %get3A_1686 = tpu.vector_load %arg5[%get3A_1685] {strides = array<i32>} : memref<4608xf32, #tpu.memory_space<vmem>>, vector<16xf32>,
      %get3A_1687 = vector.shape_cast %get3A_1686 : vector<16xf32> to vector<16xf32>
      %mul3A_1688 = arith.mulf %select_n3A_137, %get3A_1687 : vector<16xf32>
      %add3A_1689 = arith.addf %add3A_1676, %mul3A_1688 : vector<16xf32>
      %mul3A_1690 = arith.constant 3 : i32
      %mul3A_1691 = arith.muli %scan3A_296, %mul3A_1690 : i32
      %add3A_1692 = arith.constant 0 : i32
      %add3A_1693 = arith.addi %mul3A_1691, %add3A_1692 : i32
      %mul3A_1694 = arith.constant 384 : i32
      %mul3A_1695 = arith.muli %add3A_1693, %mul3A_1694 : i32
      %add3A_1696 = arith.constant 320 : i32
      %add3A_1697 = arith.addi %mul3A_1695, %add3A_1696 : i32
      %get3A_1698 = arith.index_cast %add3A_1697 : i32 to index
      %get3A_1699 = tpu.vector_load %arg5[%get3A_1698] {strides = array<i32>} : memref<4608xf32, #tpu.memory_space<vmem>>, vector<16xf32>,
      %get3A_1700 = vector.shape_cast %get3A_1699 : vector<16xf32> to vector<16xf32>
      %mul3A_1701 = arith.mulf %select_n3A_170, %get3A_1700 : vector<16xf32>
      %mul3A_1702 = arith.constant 3 : i32
      %mul3A_1703 = arith.muli %scan3A_296, %mul3A_1702 : i32
      %add3A_1704 = arith.constant 1 : i32
      %add3A_1705 = arith.addi %mul3A_1703, %add3A_1704 : i32
      %mul3A_1706 = arith.constant 384 : i32
      %mul3A_1707 = arith.muli %add3A_1705, %mul3A_1706 : i32
      %add3A_1708 = arith.constant 320 : i32
      %add3A_1709 = arith.addi %mul3A_1707, %add3A_1708 : i32
      %get3A_1710 = arith.index_cast %add3A_1709 : i32 to index
      %get3A_1711 = tpu.vector_load %arg5[%get3A_1710] {strides = array<i32>} : memref<4608xf32, #tpu.memory_space<vmem>>, vector<16xf32>,
      %get3A_1712 = vector.shape_cast %get3A_1711 : vector<16xf32> to vector<16xf32>
      %mul3A_1713 = arith.mulf %select_n3A_178, %get3A_1712 : vector<16xf32>
      %add3A_1714 = arith.addf %mul3A_1701, %mul3A_1713 : vector<16xf32>
      %mul3A_1715 = arith.constant 3 : i32
      %mul3A_1716 = arith.muli %scan3A_296, %mul3A_1715 : i32
      %add3A_1717 = arith.constant 2 : i32
      %add3A_1718 = arith.addi %mul3A_1716, %add3A_1717 : i32
      %mul3A_1719 = arith.constant 384 : i32
      %mul3A_1720 = arith.muli %add3A_1718, %mul3A_1719 : i32
      %add3A_1721 = arith.constant 320 : i32
      %add3A_1722 = arith.addi %mul3A_1720, %add3A_1721 : i32
      %get3A_1723 = arith.index_cast %add3A_1722 : i32 to index
      %get3A_1724 = tpu.vector_load %arg5[%get3A_1723] {strides = array<i32>} : memref<4608xf32, #tpu.memory_space<vmem>>, vector<16xf32>,
      %get3A_1725 = vector.shape_cast %get3A_1724 : vector<16xf32> to vector<16xf32>
      %mul3A_1726 = arith.mulf %select_n3A_186, %get3A_1725 : vector<16xf32>
      %add3A_1727 = arith.addf %add3A_1714, %mul3A_1726 : vector<16xf32>
      %lt3A_1728 = arith.constant 0 : i32
      %lt3A_1729 = vector.broadcast %lt3A_1728 : i32 to vector<16xi32>
      %lt3A_1730 = arith.cmpi slt, %select_n3A_214, %lt3A_1729 : vector<16xi32>
      %add3A_1731 = arith.constant 16 : i32
      %add3A_1732 = vector.broadcast %add3A_1731 : i32 to vector<16xi32>
      %add3A_1733 = arith.addi %select_n3A_214, %add3A_1732 : vector<16xi32>
      %select_n3A_1734 = arith.select %lt3A_1730, %add3A_1733, %select_n3A_214 : vector<16xi1>, vector<16xi32>
      %broadcast_in_dim3A_1735 = vector.shape_cast %select_n3A_1734 : vector<16xi32> to vector<16x1xi32>
      %gather3A_1736 = vector.shape_cast %broadcast_in_dim3A_1735 : vector<16x1xi32> to vector<16xi32>
      %gather3A_1737 = tpu.dynamic_gather %add3A_1651[%gather3A_1736] in [0] : vector<16xf32>, vector<16xi32> -> vector<16xf32>
      %lt3A_1738 = arith.constant 0 : i32
      %lt3A_1739 = vector.broadcast %lt3A_1738 : i32 to vector<16xi32>
      %lt3A_1740 = arith.cmpi slt, %select_n3A_214, %lt3A_1739 : vector<16xi32>
      %add3A_1741 = arith.constant 16 : i32
      %add3A_1742 = vector.broadcast %add3A_1741 : i32 to vector<16xi32>
      %add3A_1743 = arith.addi %select_n3A_214, %add3A_1742 : vector<16xi32>
      %select_n3A_1744 = arith.select %lt3A_1740, %add3A_1743, %select_n3A_214 : vector<16xi1>, vector<16xi32>
      %broadcast_in_dim3A_1745 = vector.shape_cast %select_n3A_1744 : vector<16xi32> to vector<16x1xi32>
      %gather3A_1746 = vector.shape_cast %broadcast_in_dim3A_1745 : vector<16x1xi32> to vector<16xi32>
      %gather3A_1747 = tpu.dynamic_gather %add3A_1689[%gather3A_1746] in [0] : vector<16xf32>, vector<16xi32> -> vector<16xf32>
      %lt3A_1748 = arith.constant 0 : i32
      %lt3A_1749 = vector.broadcast %lt3A_1748 : i32 to vector<16xi32>
      %lt3A_1750 = arith.cmpi slt, %select_n3A_214, %lt3A_1749 : vector<16xi32>
      %add3A_1751 = arith.constant 16 : i32
      %add3A_1752 = vector.broadcast %add3A_1751 : i32 to vector<16xi32>
      %add3A_1753 = arith.addi %select_n3A_214, %add3A_1752 : vector<16xi32>
      %select_n3A_1754 = arith.select %lt3A_1750, %add3A_1753, %select_n3A_214 : vector<16xi1>, vector<16xi32>
      %broadcast_in_dim3A_1755 = vector.shape_cast %select_n3A_1754 : vector<16xi32> to vector<16x1xi32>
      %gather3A_1756 = vector.shape_cast %broadcast_in_dim3A_1755 : vector<16x1xi32> to vector<16xi32>
      %gather3A_1757 = tpu.dynamic_gather %add3A_1727[%gather3A_1756] in [0] : vector<16xf32>, vector<16xi32> -> vector<16xf32>
      %select_n3A_1758 = arith.select %lt3A_220, %gather3A_1747, %gather3A_1757 : vector<16xi1>, vector<16xf32>
      %select_n3A_1759 = arith.select %lt3A_217, %gather3A_1737, %select_n3A_1758 : vector<16xi1>, vector<16xf32>
      %lt3A_1760 = arith.constant 0 : i32
      %lt3A_1761 = vector.broadcast %lt3A_1760 : i32 to vector<16xi32>
      %lt3A_1762 = arith.cmpi slt, %select_n3A_248, %lt3A_1761 : vector<16xi32>
      %add3A_1763 = arith.constant 16 : i32
      %add3A_1764 = vector.broadcast %add3A_1763 : i32 to vector<16xi32>
      %add3A_1765 = arith.addi %select_n3A_248, %add3A_1764 : vector<16xi32>
      %select_n3A_1766 = arith.select %lt3A_1762, %add3A_1765, %select_n3A_248 : vector<16xi1>, vector<16xi32>
      %broadcast_in_dim3A_1767 = vector.shape_cast %select_n3A_1766 : vector<16xi32> to vector<16x1xi32>
      %gather3A_1768 = vector.shape_cast %broadcast_in_dim3A_1767 : vector<16x1xi32> to vector<16xi32>
      %gather3A_1769 = tpu.dynamic_gather %add3A_1651[%gather3A_1768] in [0] : vector<16xf32>, vector<16xi32> -> vector<16xf32>
      %lt3A_1770 = arith.constant 0 : i32
      %lt3A_1771 = vector.broadcast %lt3A_1770 : i32 to vector<16xi32>
      %lt3A_1772 = arith.cmpi slt, %select_n3A_248, %lt3A_1771 : vector<16xi32>
      %add3A_1773 = arith.constant 16 : i32
      %add3A_1774 = vector.broadcast %add3A_1773 : i32 to vector<16xi32>
      %add3A_1775 = arith.addi %select_n3A_248, %add3A_1774 : vector<16xi32>
      %select_n3A_1776 = arith.select %lt3A_1772, %add3A_1775, %select_n3A_248 : vector<16xi1>, vector<16xi32>
      %broadcast_in_dim3A_1777 = vector.shape_cast %select_n3A_1776 : vector<16xi32> to vector<16x1xi32>
      %gather3A_1778 = vector.shape_cast %broadcast_in_dim3A_1777 : vector<16x1xi32> to vector<16xi32>
      %gather3A_1779 = tpu.dynamic_gather %add3A_1689[%gather3A_1778] in [0] : vector<16xf32>, vector<16xi32> -> vector<16xf32>
      %lt3A_1780 = arith.constant 0 : i32
      %lt3A_1781 = vector.broadcast %lt3A_1780 : i32 to vector<16xi32>
      %lt3A_1782 = arith.cmpi slt, %select_n3A_248, %lt3A_1781 : vector<16xi32>
      %add3A_1783 = arith.constant 16 : i32
      %add3A_1784 = vector.broadcast %add3A_1783 : i32 to vector<16xi32>
      %add3A_1785 = arith.addi %select_n3A_248, %add3A_1784 : vector<16xi32>
      %select_n3A_1786 = arith.select %lt3A_1782, %add3A_1785, %select_n3A_248 : vector<16xi1>, vector<16xi32>
      %broadcast_in_dim3A_1787 = vector.shape_cast %select_n3A_1786 : vector<16xi32> to vector<16x1xi32>
      %gather3A_1788 = vector.shape_cast %broadcast_in_dim3A_1787 : vector<16x1xi32> to vector<16xi32>
      %gather3A_1789 = tpu.dynamic_gather %add3A_1727[%gather3A_1788] in [0] : vector<16xf32>, vector<16xi32> -> vector<16xf32>
      %select_n3A_1790 = arith.select %lt3A_254, %gather3A_1779, %gather3A_1789 : vector<16xi1>, vector<16xf32>
      %select_n3A_1791 = arith.select %lt3A_251, %gather3A_1769, %select_n3A_1790 : vector<16xi1>, vector<16xf32>
      %add3A_1792 = arith.addf %select_n3A_1759, %select_n3A_1791 : vector<16xf32>
      %lt3A_1793 = arith.constant 0 : i32
      %lt3A_1794 = vector.broadcast %lt3A_1793 : i32 to vector<16xi32>
      %lt3A_1795 = arith.cmpi slt, %select_n3A_282, %lt3A_1794 : vector<16xi32>
      %add3A_1796 = arith.constant 16 : i32
      %add3A_1797 = vector.broadcast %add3A_1796 : i32 to vector<16xi32>
      %add3A_1798 = arith.addi %select_n3A_282, %add3A_1797 : vector<16xi32>
      %select_n3A_1799 = arith.select %lt3A_1795, %add3A_1798, %select_n3A_282 : vector<16xi1>, vector<16xi32>
      %broadcast_in_dim3A_1800 = vector.shape_cast %select_n3A_1799 : vector<16xi32> to vector<16x1xi32>
      %gather3A_1801 = vector.shape_cast %broadcast_in_dim3A_1800 : vector<16x1xi32> to vector<16xi32>
      %gather3A_1802 = tpu.dynamic_gather %add3A_1651[%gather3A_1801] in [0] : vector<16xf32>, vector<16xi32> -> vector<16xf32>
      %lt3A_1803 = arith.constant 0 : i32
      %lt3A_1804 = vector.broadcast %lt3A_1803 : i32 to vector<16xi32>
      %lt3A_1805 = arith.cmpi slt, %select_n3A_282, %lt3A_1804 : vector<16xi32>
      %add3A_1806 = arith.constant 16 : i32
      %add3A_1807 = vector.broadcast %add3A_1806 : i32 to vector<16xi32>
      %add3A_1808 = arith.addi %select_n3A_282, %add3A_1807 : vector<16xi32>
      %select_n3A_1809 = arith.select %lt3A_1805, %add3A_1808, %select_n3A_282 : vector<16xi1>, vector<16xi32>
      %broadcast_in_dim3A_1810 = vector.shape_cast %select_n3A_1809 : vector<16xi32> to vector<16x1xi32>
      %gather3A_1811 = vector.shape_cast %broadcast_in_dim3A_1810 : vector<16x1xi32> to vector<16xi32>
      %gather3A_1812 = tpu.dynamic_gather %add3A_1689[%gather3A_1811] in [0] : vector<16xf32>, vector<16xi32> -> vector<16xf32>
      %lt3A_1813 = arith.constant 0 : i32
      %lt3A_1814 = vector.broadcast %lt3A_1813 : i32 to vector<16xi32>
      %lt3A_1815 = arith.cmpi slt, %select_n3A_282, %lt3A_1814 : vector<16xi32>
      %add3A_1816 = arith.constant 16 : i32
      %add3A_1817 = vector.broadcast %add3A_1816 : i32 to vector<16xi32>
      %add3A_1818 = arith.addi %select_n3A_282, %add3A_1817 : vector<16xi32>
      %select_n3A_1819 = arith.select %lt3A_1815, %add3A_1818, %select_n3A_282 : vector<16xi1>, vector<16xi32>
      %broadcast_in_dim3A_1820 = vector.shape_cast %select_n3A_1819 : vector<16xi32> to vector<16x1xi32>
      %gather3A_1821 = vector.shape_cast %broadcast_in_dim3A_1820 : vector<16x1xi32> to vector<16xi32>
      %gather3A_1822 = tpu.dynamic_gather %add3A_1727[%gather3A_1821] in [0] : vector<16xf32>, vector<16xi32> -> vector<16xf32>
      %select_n3A_1823 = arith.select %lt3A_288, %gather3A_1812, %gather3A_1822 : vector<16xi1>, vector<16xf32>
      %select_n3A_1824 = arith.select %lt3A_285, %gather3A_1802, %select_n3A_1823 : vector<16xi1>, vector<16xf32>
      %add3A_1825 = arith.addf %add3A_1792, %select_n3A_1824 : vector<16xf32>
      %mul3A_1826 = arith.constant 128 : i32
      %mul3A_1827 = arith.muli %scan3A_296, %mul3A_1826 : i32
      %add3A_1828 = arith.constant 96 : i32
      %add3A_1829 = arith.addi %mul3A_1827, %add3A_1828 : i32
      %swap3A_1830 = arith.index_cast %add3A_1829 : i32 to index
      %swap3A_1831 = tpu.vector_load %arg7[%swap3A_1830] {strides = array<i32>} : memref<512xf32, #tpu.memory_space<vmem>>, vector<16xf32>,
      %swap3A_1832 = vector.shape_cast %swap3A_1831 : vector<16xf32> to vector<16xf32>
      %swap3A_1833 = vector.shape_cast %add3A_1825 : vector<16xf32> to vector<16xf32>
      tpu.vector_store %arg7[%swap3A_1830], %swap3A_1833 {strides = array<i32>} : memref<512xf32, #tpu.memory_space<vmem>>, vector<16xf32>,
      %mul3A_1834 = arith.constant 3 : i32
      %mul3A_1835 = arith.muli %scan3A_296, %mul3A_1834 : i32
      %add3A_1836 = arith.constant 0 : i32
      %add3A_1837 = arith.addi %mul3A_1835, %add3A_1836 : i32
      %mul3A_1838 = arith.constant 384 : i32
      %mul3A_1839 = arith.muli %add3A_1837, %mul3A_1838 : i32
      %add3A_1840 = arith.constant 336 : i32
      %add3A_1841 = arith.addi %mul3A_1839, %add3A_1840 : i32
      %get3A_1842 = arith.index_cast %add3A_1841 : i32 to index
      %get3A_1843 = tpu.vector_load %arg5[%get3A_1842] {strides = array<i32>} : memref<4608xf32, #tpu.memory_space<vmem>>, vector<16xf32>,
      %get3A_1844 = vector.shape_cast %get3A_1843 : vector<16xf32> to vector<16xf32>
      %mul3A_1845 = arith.mulf %select_n3A_72, %get3A_1844 : vector<16xf32>
      %mul3A_1846 = arith.constant 3 : i32
      %mul3A_1847 = arith.muli %scan3A_296, %mul3A_1846 : i32
      %add3A_1848 = arith.constant 1 : i32
      %add3A_1849 = arith.addi %mul3A_1847, %add3A_1848 : i32
      %mul3A_1850 = arith.constant 384 : i32
      %mul3A_1851 = arith.muli %add3A_1849, %mul3A_1850 : i32
      %add3A_1852 = arith.constant 336 : i32
      %add3A_1853 = arith.addi %mul3A_1851, %add3A_1852 : i32
      %get3A_1854 = arith.index_cast %add3A_1853 : i32 to index
      %get3A_1855 = tpu.vector_load %arg5[%get3A_1854] {strides = array<i32>} : memref<4608xf32, #tpu.memory_space<vmem>>, vector<16xf32>,
      %get3A_1856 = vector.shape_cast %get3A_1855 : vector<16xf32> to vector<16xf32>
      %mul3A_1857 = arith.mulf %select_n3A_80, %get3A_1856 : vector<16xf32>
      %add3A_1858 = arith.addf %mul3A_1845, %mul3A_1857 : vector<16xf32>
      %mul3A_1859 = arith.constant 3 : i32
      %mul3A_1860 = arith.muli %scan3A_296, %mul3A_1859 : i32
      %add3A_1861 = arith.constant 2 : i32
      %add3A_1862 = arith.addi %mul3A_1860, %add3A_1861 : i32
      %mul3A_1863 = arith.constant 384 : i32
      %mul3A_1864 = arith.muli %add3A_1862, %mul3A_1863 : i32
      %add3A_1865 = arith.constant 336 : i32
      %add3A_1866 = arith.addi %mul3A_1864, %add3A_1865 : i32
      %get3A_1867 = arith.index_cast %add3A_1866 : i32 to index
      %get3A_1868 = tpu.vector_load %arg5[%get3A_1867] {strides = array<i32>} : memref<4608xf32, #tpu.memory_space<vmem>>, vector<16xf32>,
      %get3A_1869 = vector.shape_cast %get3A_1868 : vector<16xf32> to vector<16xf32>
      %mul3A_1870 = arith.mulf %select_n3A_88, %get3A_1869 : vector<16xf32>
      %add3A_1871 = arith.addf %add3A_1858, %mul3A_1870 : vector<16xf32>
      %mul3A_1872 = arith.constant 3 : i32
      %mul3A_1873 = arith.muli %scan3A_296, %mul3A_1872 : i32
      %add3A_1874 = arith.constant 0 : i32
      %add3A_1875 = arith.addi %mul3A_1873, %add3A_1874 : i32
      %mul3A_1876 = arith.constant 384 : i32
      %mul3A_1877 = arith.muli %add3A_1875, %mul3A_1876 : i32
      %add3A_1878 = arith.constant 352 : i32
      %add3A_1879 = arith.addi %mul3A_1877, %add3A_1878 : i32
      %get3A_1880 = arith.index_cast %add3A_1879 : i32 to index
      %get3A_1881 = tpu.vector_load %arg5[%get3A_1880] {strides = array<i32>} : memref<4608xf32, #tpu.memory_space<vmem>>, vector<16xf32>,
      %get3A_1882 = vector.shape_cast %get3A_1881 : vector<16xf32> to vector<16xf32>
      %mul3A_1883 = arith.mulf %select_n3A_121, %get3A_1882 : vector<16xf32>
      %mul3A_1884 = arith.constant 3 : i32
      %mul3A_1885 = arith.muli %scan3A_296, %mul3A_1884 : i32
      %add3A_1886 = arith.constant 1 : i32
      %add3A_1887 = arith.addi %mul3A_1885, %add3A_1886 : i32
      %mul3A_1888 = arith.constant 384 : i32
      %mul3A_1889 = arith.muli %add3A_1887, %mul3A_1888 : i32
      %add3A_1890 = arith.constant 352 : i32
      %add3A_1891 = arith.addi %mul3A_1889, %add3A_1890 : i32
      %get3A_1892 = arith.index_cast %add3A_1891 : i32 to index
      %get3A_1893 = tpu.vector_load %arg5[%get3A_1892] {strides = array<i32>} : memref<4608xf32, #tpu.memory_space<vmem>>, vector<16xf32>,
      %get3A_1894 = vector.shape_cast %get3A_1893 : vector<16xf32> to vector<16xf32>
      %mul3A_1895 = arith.mulf %select_n3A_129, %get3A_1894 : vector<16xf32>
      %add3A_1896 = arith.addf %mul3A_1883, %mul3A_1895 : vector<16xf32>
      %mul3A_1897 = arith.constant 3 : i32
      %mul3A_1898 = arith.muli %scan3A_296, %mul3A_1897 : i32
      %add3A_1899 = arith.constant 2 : i32
      %add3A_1900 = arith.addi %mul3A_1898, %add3A_1899 : i32
      %mul3A_1901 = arith.constant 384 : i32
      %mul3A_1902 = arith.muli %add3A_1900, %mul3A_1901 : i32
      %add3A_1903 = arith.constant 352 : i32
      %add3A_1904 = arith.addi %mul3A_1902, %add3A_1903 : i32
      %get3A_1905 = arith.index_cast %add3A_1904 : i32 to index
      %get3A_1906 = tpu.vector_load %arg5[%get3A_1905] {strides = array<i32>} : memref<4608xf32, #tpu.memory_space<vmem>>, vector<16xf32>,
      %get3A_1907 = vector.shape_cast %get3A_1906 : vector<16xf32> to vector<16xf32>
      %mul3A_1908 = arith.mulf %select_n3A_137, %get3A_1907 : vector<16xf32>
      %add3A_1909 = arith.addf %add3A_1896, %mul3A_1908 : vector<16xf32>
      %mul3A_1910 = arith.constant 3 : i32
      %mul3A_1911 = arith.muli %scan3A_296, %mul3A_1910 : i32
      %add3A_1912 = arith.constant 0 : i32
      %add3A_1913 = arith.addi %mul3A_1911, %add3A_1912 : i32
      %mul3A_1914 = arith.constant 384 : i32
      %mul3A_1915 = arith.muli %add3A_1913, %mul3A_1914 : i32
      %add3A_1916 = arith.constant 368 : i32
      %add3A_1917 = arith.addi %mul3A_1915, %add3A_1916 : i32
      %get3A_1918 = arith.index_cast %add3A_1917 : i32 to index
      %get3A_1919 = tpu.vector_load %arg5[%get3A_1918] {strides = array<i32>} : memref<4608xf32, #tpu.memory_space<vmem>>, vector<16xf32>,
      %get3A_1920 = vector.shape_cast %get3A_1919 : vector<16xf32> to vector<16xf32>
      %mul3A_1921 = arith.mulf %select_n3A_170, %get3A_1920 : vector<16xf32>
      %mul3A_1922 = arith.constant 3 : i32
      %mul3A_1923 = arith.muli %scan3A_296, %mul3A_1922 : i32
      %add3A_1924 = arith.constant 1 : i32
      %add3A_1925 = arith.addi %mul3A_1923, %add3A_1924 : i32
      %mul3A_1926 = arith.constant 384 : i32
      %mul3A_1927 = arith.muli %add3A_1925, %mul3A_1926 : i32
      %add3A_1928 = arith.constant 368 : i32
      %add3A_1929 = arith.addi %mul3A_1927, %add3A_1928 : i32
      %get3A_1930 = arith.index_cast %add3A_1929 : i32 to index
      %get3A_1931 = tpu.vector_load %arg5[%get3A_1930] {strides = array<i32>} : memref<4608xf32, #tpu.memory_space<vmem>>, vector<16xf32>,
      %get3A_1932 = vector.shape_cast %get3A_1931 : vector<16xf32> to vector<16xf32>
      %mul3A_1933 = arith.mulf %select_n3A_178, %get3A_1932 : vector<16xf32>
      %add3A_1934 = arith.addf %mul3A_1921, %mul3A_1933 : vector<16xf32>
      %mul3A_1935 = arith.constant 3 : i32
      %mul3A_1936 = arith.muli %scan3A_296, %mul3A_1935 : i32
      %add3A_1937 = arith.constant 2 : i32
      %add3A_1938 = arith.addi %mul3A_1936, %add3A_1937 : i32
      %mul3A_1939 = arith.constant 384 : i32
      %mul3A_1940 = arith.muli %add3A_1938, %mul3A_1939 : i32
      %add3A_1941 = arith.constant 368 : i32
      %add3A_1942 = arith.addi %mul3A_1940, %add3A_1941 : i32
      %get3A_1943 = arith.index_cast %add3A_1942 : i32 to index
      %get3A_1944 = tpu.vector_load %arg5[%get3A_1943] {strides = array<i32>} : memref<4608xf32, #tpu.memory_space<vmem>>, vector<16xf32>,
      %get3A_1945 = vector.shape_cast %get3A_1944 : vector<16xf32> to vector<16xf32>
      %mul3A_1946 = arith.mulf %select_n3A_186, %get3A_1945 : vector<16xf32>
      %add3A_1947 = arith.addf %add3A_1934, %mul3A_1946 : vector<16xf32>
      %lt3A_1948 = arith.constant 0 : i32
      %lt3A_1949 = vector.broadcast %lt3A_1948 : i32 to vector<16xi32>
      %lt3A_1950 = arith.cmpi slt, %select_n3A_214, %lt3A_1949 : vector<16xi32>
      %add3A_1951 = arith.constant 16 : i32
      %add3A_1952 = vector.broadcast %add3A_1951 : i32 to vector<16xi32>
      %add3A_1953 = arith.addi %select_n3A_214, %add3A_1952 : vector<16xi32>
      %select_n3A_1954 = arith.select %lt3A_1950, %add3A_1953, %select_n3A_214 : vector<16xi1>, vector<16xi32>
      %broadcast_in_dim3A_1955 = vector.shape_cast %select_n3A_1954 : vector<16xi32> to vector<16x1xi32>
      %gather3A_1956 = vector.shape_cast %broadcast_in_dim3A_1955 : vector<16x1xi32> to vector<16xi32>
      %gather3A_1957 = tpu.dynamic_gather %add3A_1871[%gather3A_1956] in [0] : vector<16xf32>, vector<16xi32> -> vector<16xf32>
      %lt3A_1958 = arith.constant 0 : i32
      %lt3A_1959 = vector.broadcast %lt3A_1958 : i32 to vector<16xi32>
      %lt3A_1960 = arith.cmpi slt, %select_n3A_214, %lt3A_1959 : vector<16xi32>
      %add3A_1961 = arith.constant 16 : i32
      %add3A_1962 = vector.broadcast %add3A_1961 : i32 to vector<16xi32>
      %add3A_1963 = arith.addi %select_n3A_214, %add3A_1962 : vector<16xi32>
      %select_n3A_1964 = arith.select %lt3A_1960, %add3A_1963, %select_n3A_214 : vector<16xi1>, vector<16xi32>
      %broadcast_in_dim3A_1965 = vector.shape_cast %select_n3A_1964 : vector<16xi32> to vector<16x1xi32>
      %gather3A_1966 = vector.shape_cast %broadcast_in_dim3A_1965 : vector<16x1xi32> to vector<16xi32>
      %gather3A_1967 = tpu.dynamic_gather %add3A_1909[%gather3A_1966] in [0] : vector<16xf32>, vector<16xi32> -> vector<16xf32>
      %lt3A_1968 = arith.constant 0 : i32
      %lt3A_1969 = vector.broadcast %lt3A_1968 : i32 to vector<16xi32>
      %lt3A_1970 = arith.cmpi slt, %select_n3A_214, %lt3A_1969 : vector<16xi32>
      %add3A_1971 = arith.constant 16 : i32
      %add3A_1972 = vector.broadcast %add3A_1971 : i32 to vector<16xi32>
      %add3A_1973 = arith.addi %select_n3A_214, %add3A_1972 : vector<16xi32>
      %select_n3A_1974 = arith.select %lt3A_1970, %add3A_1973, %select_n3A_214 : vector<16xi1>, vector<16xi32>
      %broadcast_in_dim3A_1975 = vector.shape_cast %select_n3A_1974 : vector<16xi32> to vector<16x1xi32>
      %gather3A_1976 = vector.shape_cast %broadcast_in_dim3A_1975 : vector<16x1xi32> to vector<16xi32>
      %gather3A_1977 = tpu.dynamic_gather %add3A_1947[%gather3A_1976] in [0] : vector<16xf32>, vector<16xi32> -> vector<16xf32>
      %select_n3A_1978 = arith.select %lt3A_220, %gather3A_1967, %gather3A_1977 : vector<16xi1>, vector<16xf32>
      %select_n3A_1979 = arith.select %lt3A_217, %gather3A_1957, %select_n3A_1978 : vector<16xi1>, vector<16xf32>
      %lt3A_1980 = arith.constant 0 : i32
      %lt3A_1981 = vector.broadcast %lt3A_1980 : i32 to vector<16xi32>
      %lt3A_1982 = arith.cmpi slt, %select_n3A_248, %lt3A_1981 : vector<16xi32>
      %add3A_1983 = arith.constant 16 : i32
      %add3A_1984 = vector.broadcast %add3A_1983 : i32 to vector<16xi32>
      %add3A_1985 = arith.addi %select_n3A_248, %add3A_1984 : vector<16xi32>
      %select_n3A_1986 = arith.select %lt3A_1982, %add3A_1985, %select_n3A_248 : vector<16xi1>, vector<16xi32>
      %broadcast_in_dim3A_1987 = vector.shape_cast %select_n3A_1986 : vector<16xi32> to vector<16x1xi32>
      %gather3A_1988 = vector.shape_cast %broadcast_in_dim3A_1987 : vector<16x1xi32> to vector<16xi32>
      %gather3A_1989 = tpu.dynamic_gather %add3A_1871[%gather3A_1988] in [0] : vector<16xf32>, vector<16xi32> -> vector<16xf32>
      %lt3A_1990 = arith.constant 0 : i32
      %lt3A_1991 = vector.broadcast %lt3A_1990 : i32 to vector<16xi32>
      %lt3A_1992 = arith.cmpi slt, %select_n3A_248, %lt3A_1991 : vector<16xi32>
      %add3A_1993 = arith.constant 16 : i32
      %add3A_1994 = vector.broadcast %add3A_1993 : i32 to vector<16xi32>
      %add3A_1995 = arith.addi %select_n3A_248, %add3A_1994 : vector<16xi32>
      %select_n3A_1996 = arith.select %lt3A_1992, %add3A_1995, %select_n3A_248 : vector<16xi1>, vector<16xi32>
      %broadcast_in_dim3A_1997 = vector.shape_cast %select_n3A_1996 : vector<16xi32> to vector<16x1xi32>
      %gather3A_1998 = vector.shape_cast %broadcast_in_dim3A_1997 : vector<16x1xi32> to vector<16xi32>
      %gather3A_1999 = tpu.dynamic_gather %add3A_1909[%gather3A_1998] in [0] : vector<16xf32>, vector<16xi32> -> vector<16xf32>
      %lt3A_2000 = arith.constant 0 : i32
      %lt3A_2001 = vector.broadcast %lt3A_2000 : i32 to vector<16xi32>
      %lt3A_2002 = arith.cmpi slt, %select_n3A_248, %lt3A_2001 : vector<16xi32>
      %add3A_2003 = arith.constant 16 : i32
      %add3A_2004 = vector.broadcast %add3A_2003 : i32 to vector<16xi32>
      %add3A_2005 = arith.addi %select_n3A_248, %add3A_2004 : vector<16xi32>
      %select_n3A_2006 = arith.select %lt3A_2002, %add3A_2005, %select_n3A_248 : vector<16xi1>, vector<16xi32>
      %broadcast_in_dim3A_2007 = vector.shape_cast %select_n3A_2006 : vector<16xi32> to vector<16x1xi32>
      %gather3A_2008 = vector.shape_cast %broadcast_in_dim3A_2007 : vector<16x1xi32> to vector<16xi32>
      %gather3A_2009 = tpu.dynamic_gather %add3A_1947[%gather3A_2008] in [0] : vector<16xf32>, vector<16xi32> -> vector<16xf32>
      %select_n3A_2010 = arith.select %lt3A_254, %gather3A_1999, %gather3A_2009 : vector<16xi1>, vector<16xf32>
      %select_n3A_2011 = arith.select %lt3A_251, %gather3A_1989, %select_n3A_2010 : vector<16xi1>, vector<16xf32>
      %add3A_2012 = arith.addf %select_n3A_1979, %select_n3A_2011 : vector<16xf32>
      %lt3A_2013 = arith.constant 0 : i32
      %lt3A_2014 = vector.broadcast %lt3A_2013 : i32 to vector<16xi32>
      %lt3A_2015 = arith.cmpi slt, %select_n3A_282, %lt3A_2014 : vector<16xi32>
      %add3A_2016 = arith.constant 16 : i32
      %add3A_2017 = vector.broadcast %add3A_2016 : i32 to vector<16xi32>
      %add3A_2018 = arith.addi %select_n3A_282, %add3A_2017 : vector<16xi32>
      %select_n3A_2019 = arith.select %lt3A_2015, %add3A_2018, %select_n3A_282 : vector<16xi1>, vector<16xi32>
      %broadcast_in_dim3A_2020 = vector.shape_cast %select_n3A_2019 : vector<16xi32> to vector<16x1xi32>
      %gather3A_2021 = vector.shape_cast %broadcast_in_dim3A_2020 : vector<16x1xi32> to vector<16xi32>
      %gather3A_2022 = tpu.dynamic_gather %add3A_1871[%gather3A_2021] in [0] : vector<16xf32>, vector<16xi32> -> vector<16xf32>
      %lt3A_2023 = arith.constant 0 : i32
      %lt3A_2024 = vector.broadcast %lt3A_2023 : i32 to vector<16xi32>
      %lt3A_2025 = arith.cmpi slt, %select_n3A_282, %lt3A_2024 : vector<16xi32>
      %add3A_2026 = arith.constant 16 : i32
      %add3A_2027 = vector.broadcast %add3A_2026 : i32 to vector<16xi32>
      %add3A_2028 = arith.addi %select_n3A_282, %add3A_2027 : vector<16xi32>
      %select_n3A_2029 = arith.select %lt3A_2025, %add3A_2028, %select_n3A_282 : vector<16xi1>, vector<16xi32>
      %broadcast_in_dim3A_2030 = vector.shape_cast %select_n3A_2029 : vector<16xi32> to vector<16x1xi32>
      %gather3A_2031 = vector.shape_cast %broadcast_in_dim3A_2030 : vector<16x1xi32> to vector<16xi32>
      %gather3A_2032 = tpu.dynamic_gather %add3A_1909[%gather3A_2031] in [0] : vector<16xf32>, vector<16xi32> -> vector<16xf32>
      %lt3A_2033 = arith.constant 0 : i32
      %lt3A_2034 = vector.broadcast %lt3A_2033 : i32 to vector<16xi32>
      %lt3A_2035 = arith.cmpi slt, %select_n3A_282, %lt3A_2034 : vector<16xi32>
      %add3A_2036 = arith.constant 16 : i32
      %add3A_2037 = vector.broadcast %add3A_2036 : i32 to vector<16xi32>
      %add3A_2038 = arith.addi %select_n3A_282, %add3A_2037 : vector<16xi32>
      %select_n3A_2039 = arith.select %lt3A_2035, %add3A_2038, %select_n3A_282 : vector<16xi1>, vector<16xi32>
      %broadcast_in_dim3A_2040 = vector.shape_cast %select_n3A_2039 : vector<16xi32> to vector<16x1xi32>
      %gather3A_2041 = vector.shape_cast %broadcast_in_dim3A_2040 : vector<16x1xi32> to vector<16xi32>
      %gather3A_2042 = tpu.dynamic_gather %add3A_1947[%gather3A_2041] in [0] : vector<16xf32>, vector<16xi32> -> vector<16xf32>
      %select_n3A_2043 = arith.select %lt3A_288, %gather3A_2032, %gather3A_2042 : vector<16xi1>, vector<16xf32>
      %select_n3A_2044 = arith.select %lt3A_285, %gather3A_2022, %select_n3A_2043 : vector<16xi1>, vector<16xf32>
      %add3A_2045 = arith.addf %add3A_2012, %select_n3A_2044 : vector<16xf32>
      %mul3A_2046 = arith.constant 128 : i32
      %mul3A_2047 = arith.muli %scan3A_296, %mul3A_2046 : i32
      %add3A_2048 = arith.constant 112 : i32
      %add3A_2049 = arith.addi %mul3A_2047, %add3A_2048 : i32
      %swap3A_2050 = arith.index_cast %add3A_2049 : i32 to index
      %swap3A_2051 = tpu.vector_load %arg7[%swap3A_2050] {strides = array<i32>} : memref<512xf32, #tpu.memory_space<vmem>>, vector<16xf32>,
      %swap3A_2052 = vector.shape_cast %swap3A_2051 : vector<16xf32> to vector<16xf32>
      %swap3A_2053 = vector.shape_cast %add3A_2045 : vector<16xf32> to vector<16xf32>
      tpu.vector_store %arg7[%swap3A_2050], %swap3A_2053 {strides = array<i32>} : memref<512xf32, #tpu.memory_space<vmem>>, vector<16xf32>,
    }
    %scan3A_293 = arith.constant 4 : i32
    %mul3A_294 = arith.constant 512 : i32
    %mul3A_295 = arith.muli %add3A, %mul3A_294 : i32
    "tpu.region"() ({
      %run_scoped3A = tpu.sem_alloc : memref<!tpu.dma_semaphore, #tpu.memory_space<semaphore_mem>>
      %dma_start3A = tpu.memref_slice %arg4[%mul3A_295] : memref<16384xf32, #tpu.memory_space<hbm>> -> memref<512xf32, #tpu.memory_space<hbm>>
      %dma_start3A_296 = tpu.memref_slice %arg4[%mul3A_295] : memref<16384xf32, #tpu.memory_space<hbm>> -> memref<512xf32, #tpu.memory_space<hbm>>
      tpu.enqueue_dma source(%arg7 : memref<512xf32, #tpu.memory_space<vmem>>) target(%dma_start3A_296 : memref<512xf32, #tpu.memory_space<hbm>>) target_semaphore(%run_scoped3A : memref<!tpu.dma_semaphore, #tpu.memory_space<semaphore_mem>>)
      %dma_wait3A = tpu.memref_slice %arg4[%mul3A_295] : memref<16384xf32, #tpu.memory_space<hbm>> -> memref<512xf32, #tpu.memory_space<hbm>>
      %dma_wait3A_297 = tpu.memref_slice %arg4[%mul3A_295] : memref<16384xf32, #tpu.memory_space<hbm>> -> memref<512xf32, #tpu.memory_space<hbm>>
      tpu.wait_dma2 semaphore(%run_scoped3A : memref<!tpu.dma_semaphore, #tpu.memory_space<semaphore_mem>>) src(%arg7 : memref<512xf32, #tpu.memory_space<vmem>>) dst(%dma_wait3A_297 : memref<512xf32, #tpu.memory_space<hbm>>)
      tpu.yield
    }) : () -> ()
    return
  }
}

</mosaic_0001>

<sc_bundles>
// kernel: kernel.3.cloned.1.call-start
scs
__scs_entry_jumppad:
0x0: {  	(pc) =	sbr.rel $0x88, $3  }
0x1: {  	(tag) =	ssettag $0x0;
	lr =	simm.s32 $0x1  }
0x2: {  	[smem:$0x3F9F] =	sst lr;
	_ =	strace $0xD0000000  }
0x3: {  	_ = 	snop  }
0x4: {  	_ = 	snop  }
0x5: {  	_ = 	snop  }
0x6: {  	_ = 	snop  }
0x7: {  	_ = 	snop  }
__scs_overlays_trampoline_lowered:
0x8: {  	[smem:$0x3FAE] =	sst s0  }
0x9: {  	[smem:$0x3FAF] =	sst s1  }
0xa: {  	[smem:$0x3FB0] =	sst s2  }
0xb: {  	[smem:$0x3FB1] =	sst s3  }
0xc: {  	[smem:$0x3FB2] =	sst s4  }
0xd: {  	[smem:$0x3FB3] =	sst s5  }
0xe: {  	[smem:$0x3FB4] =	sst s6  }
0xf: {  	[smem:$0x3FB5] =	sst s7  }
0x10: {  	[smem:$0x3FB6] =	sst s8  }
0x11: {  	[smem:$0x3FB7] =	sst s9;
	s0 =	simm.s32 @!p0 $0x0  }
0x12: {  	s1 =	sld [smem:$0x3F9D];
	s0 =	simm.s32 @p0 $0x1  }
0x13: {  	[smem:$0x3FB8] =	sst s0;
	s0 =	simm.s32 @!p1 $0x0  }
0x14: {  	s2 =	sld [smem:$0x3F9C];
	s0 =	simm.s32 @p1 $0x1  }
0x15: {  	[smem:$0x3FB9] =	sst s0;
	s0 =	simm.s32 @!p2 $0x0  }
0x16: {  	s3 =	sld [smem:$0x3FDB];
	s0 =	simm.s32 @p2 $0x1  }
0x17: {  	s4 =	simm.s32 $0x1BF5;
	[smem:$0x3FBB] =	sst s0  }
0x18: {  	s0 =	sld [smem:$0x3F9E];
	_ =	swait.ge [sflag:s4], $0x0  }
0x19: {  	s7 =	sld [smem:$0x3F9F]  }
0x1a: {  	s8 =	sadd.s32 $0xFFFFE003, lr  }
0x1b: {  	s9 =	sadd.s32 $0xFFFFFEF7, lr;
	s5 =	simm.s32 $0xFFFFFFFF;
	p2 =	slt.u32 s8, $0xFFFFF086  }
0x1c: {  	p1 =	slt.u32 s9, $0xF7A;
	s5 =	simm.s32 @!p2 $0x0  }
0x1d: {  	s5 =	simm.s32 @p1 $0x1;
	p0 =	seq.s32 s7, s2  }
0x1e: {  	s7 =	smul.u32 @!p0 $0xF7A, s2;
	p2 =	seq.s32 @!p0 s5, $0x0  }
0x1f: {  	s9 =	smul.u32 $0xF7A, s1;
	s8 =	simm.s32 @!p0 $0x1BF5;
	p2 =	por !p2, p0  }
0x20: {  	[sflag:s8] =	ssyncset.s32 @!p0 $0xFFFFF086;
	s6 =	sadd.s32 @!p0 s3, s7;
	s7 =	simm.s32 @!p0 $0x108  }
0x21: {  	s3 =	sadd.s32 s3, s9;
	s6 =	sadd.s32 @!p0 $0x88, s6;
	s7 =	simm.s32 @p2 $0x1082  }
0x22: {  	[simem:s7], [sflag:s8] =	dma.local @!p0 [hbm:s6], $0xF7A  }
0x23: {  	s9 =	sor.u32 $0xD0000000, s2;
	s6 =	simm.s32 $0x108;
	_ =	swait.ge @!p0 [sflag:s8], $0x0  }
0x24: {  	s3 =	sadd.s32 $0x88, s3;
	s6 =	simm.s32 @!p1 $0x1082;
	[sflag:s4] =	ssyncset.s32 $0xFFFFF086  }
0x25: {  	[simem:s6], [sflag:s4] =	dma.local [hbm:s3], $0xF7A  }
0x26: {  	[smem:$0x3F9F] =	sst s1;
	(tag) =	ssettag s2;
	_ =	strace s9  }
0x27: {  	s1 =	sld [smem:$0x3FAF]  }
0x28: {  	s2 =	sld [smem:$0x3FB0]  }
0x29: {  	s4 =	sld [smem:$0x3FB2]  }
0x2a: {  	p0 =	seq.s32 s5, $0x0;
	s5 =	sld [smem:$0x3FB3]  }
0x2b: {  	s6 =	sld [smem:$0x3FB4]  }
0x2c: {  	s7 =	sld [smem:$0x3FB5]  }
0x2d: {  	s3 =	simm.s32 $0x108;
	s8 =	sld [smem:$0x3FB6]  }
0x2e: {  	s3 =	simm.s32 @!p0 $0x1082;
	s9 =	sld [smem:$0x3FB7]  }
0x2f: {  	lr =	sadd.s32 s0, s3;
	s0 =	sld [smem:$0x3FAE]  }
0x30: {  	s3 =	sld [smem:$0x3FB1]  }
0x31: {  	[smem:$0x3FBA] =	sst s10  }
0x32: {  	s10 =	sld [smem:$0x3FB8];
	_ =	sdelay $0x3  }
0x33: {  	p0 =	seq.s32 s10, $0x1;
	s10 =	sld [smem:$0x3FBA];
	_ =	sdelay $0x3  }
0x34: {  	[smem:$0x3FBA] =	sst s10  }
0x35: {  	s10 =	sld [smem:$0x3FB9];
	_ =	sdelay $0x3  }
0x36: {  	p1 =	seq.s32 s10, $0x1;
	s10 =	sld [smem:$0x3FBA];
	_ =	sdelay $0x3  }
0x37: {  	[smem:$0x3FBA] =	sst s10  }
0x38: {  	s10 =	sld [smem:$0x3FBB]  }
0x39: {  	_ = 	snop;
	(pc) =	sbr.ind lr, $3  }
0x3a: {  	_ = 	snop  }
0x3b: {  	_ = 	snop  }
0x3c: {  	p2 =	seq.s32 s10, $0x1;
	s10 =	sld [smem:$0x3FBA]  }
0x3d: {  	_ =	shalt  }
0x3e: {  	_ =	shalt  }
0x3f: {  	_ =	shalt  }
0x40: {  	_ =	shalt  }
0x41: {  	_ =	shalt  }
0x42: {  	_ =	shalt  }
0x43: {  	_ =	shalt  }
0x44: {  	_ =	shalt  }
0x45: {  	_ =	shalt  }
0x46: {  	_ =	shalt  }
0x47: {  	_ =	shalt  }
0x48: {  	_ =	shalt  }
0x49: {  	_ =	shalt  }
0x4a: {  	_ =	shalt  }
0x4b: {  	_ =	shalt  }
0x4c: {  	_ =	shalt  }
0x4d: {  	_ =	shalt  }
0x4e: {  	_ =	shalt  }
0x4f: {  	_ =	shalt  }
0x50: {  	_ =	shalt  }
0x51: {  	_ =	shalt  }
0x52: {  	_ =	shalt  }
0x53: {  	_ =	shalt  }
0x54: {  	_ =	shalt  }
0x55: {  	_ =	shalt  }
0x56: {  	_ =	shalt  }
0x57: {  	_ =	shalt  }
0x58: {  	_ =	shalt  }
0x59: {  	_ =	shalt  }
0x5a: {  	_ =	shalt  }
0x5b: {  	_ =	shalt  }
0x5c: {  	_ =	shalt  }
0x5d: {  	_ =	shalt  }
0x5e: {  	_ =	shalt  }
0x5f: {  	_ =	shalt  }
0x60: {  	_ =	shalt  }
0x61: {  	_ =	shalt  }
0x62: {  	_ =	shalt  }
0x63: {  	_ =	shalt  }
0x64: {  	_ =	shalt  }
0x65: {  	_ =	shalt  }
0x66: {  	_ =	shalt  }
0x67: {  	_ =	shalt  }
0x68: {  	_ =	shalt  }
0x69: {  	_ =	shalt  }
0x6a: {  	_ =	shalt  }
0x6b: {  	_ =	shalt  }
0x6c: {  	_ =	shalt  }
0x6d: {  	_ =	shalt  }
0x6e: {  	_ =	shalt  }
0x6f: {  	_ =	shalt  }
0x70: {  	_ =	shalt  }
0x71: {  	_ =	shalt  }
0x72: {  	_ =	shalt  }
0x73: {  	_ =	shalt  }
0x74: {  	_ =	shalt  }
0x75: {  	_ =	shalt  }
0x76: {  	_ =	shalt  }
0x77: {  	_ =	shalt  }
0x78: {  	_ =	shalt  }
0x79: {  	_ =	shalt  }
0x7a: {  	_ =	shalt  }
0x7b: {  	_ =	shalt  }
0x7c: {  	_ =	shalt  }
0x7d: {  	_ =	shalt  }
0x7e: {  	_ =	shalt  }
0x7f: {  	_ =	shalt  }
0x80: {  	_ =	shalt  }
0x81: {  	_ =	shalt  }
0x82: {  	_ =	shalt  }
0x83: {  	_ =	shalt  }
0x84: {  	_ =	shalt  }
0x85: {  	_ =	shalt  }
0x86: {  	_ =	shalt  }
0x87: {  	_ =	shalt  }
.Lfunc_end0:
.L_simem_size_0:
called_computation_lowered:
.L_overlay_start_0:
0x88: {  	s2 =	sld [smem:$0x3FD9]  }
0x89: {  	s3 =	sld [smem:$0x3FFE];
	_ =	sdelay $0x1  }
0x8a: {  	s1 =	srdreg.scid  }
0x8b: {  	s0 =	sand.u32 $0x1, s1  }
0x8c: {  	s17 =	sshll.u32 s0, $0xA;
	s2 =	sadd.s32 s3, s2  }
0x8d: {  	s2 =	sadd.s32 s2, s17  }
0x8e: {  	[smem:$0x3FC6] =	sst s2  }
0x8f: {  	_ = 	snop  }
0x90: {  	s2 =	sld [smem:$0x3FD0];
	(tm) =	ssettm $0x1  }
0x91: {  	s18 =	sld [smem:$0x3FFB];
	_ =	sdelay $0x3  }
0x92: {  	_ =	strace s18  }
0x93: {  	s3 =	sld [smem:$0x3FFC];
	_ =	sdelay $0x3  }
0x94: {  	_ =	strace s3  }
0x95: {  	s3 =	sld [smem:$0x3FFD];
	_ =	sdelay $0x3  }
0x96: {  	_ =	strace s3  }
0x97: {  	_ =	strace $0x8FFFFFFF  }
0x98: {  	s19 =	sld [smem:$0x3FDB];
	_ =	sdelay $0x1  }
0x99: {  	s4 =	simm.s32 $_scs_section_size  }
0x9a: {  	s5 =	simm.s32 $_size__tile_overlayer_lowered;
	s6 =	simm.s32 $_tile_overlayer_lowered  }
0x9b: {  	s22 =	simm.s32 $0x1BFF;
	s21 =	sshll.u32 s6, $0x1;
	s3 =	sadd.s32 s4, s19  }
0x9c: {  	s7 =	simm.s32 $0x0;
	s20 =	sshll.u32 s5, $0x1;
	s5 =	sadd.s32 s21, s3  }
0x9d: {  	[timem:s7], [sflag:s22] =	dma.local [hbm:s5], s20  }
0x9e: {  	_ =	swait.ge [sflag:s22], s20  }
0x9f: {  	s4 =	ssub.s32 $0x0, s20;
	[sflag:s22] =	ssyncset.done $0x0  }
0xa0: {  	[sflag:s22] =	ssyncadd.s32 s4;
	_ =	sdelay $0x1  }
0xa1: {  	s23 =	simm.s32 $0x1B8B  }
0xa2: {  	_ =	swait.ge [sflag:s23], $0x1  }
0xa3: {  	[sflag:s23] =	ssyncset.done $0x0  }
0xa4: {  	s25 =	simm.s32 $0x1B8E;
	s24 =	sld [smem:$0x3FFE];
	[sflag:s23] =	ssyncadd.s32 $0xFFFFFFFF  }
0xa5: {  	s26 =	simm.s32 $execute0_lowered;
	[smem:$0x3FD2] =	sst s25  }
0xa6: {  	s5 =	sshll.u32 s26, $0x1;
	_ =	strace $0x80000046;
	[dreg:$0x1] =	wrdreg $0xFFFFFFFF  }
0xa7: {  	s28 =	simm.s32 $_size_execute0_lowered;
	s3 =	sadd.s32 s3, s5;
	[dreg:$0x0] =	wrdreg $0x0  }
0xa8: {  	s5 =	sshll.u32 s28, $0x1;
	[dreg:$0x2] =	wrdreg s3  }
0xa9: {  	[dreg:$0x3] =	wrdreg s5  }
0xaa: {  	[dreg:$0x4] =	wrdreg $0xC0  }
0xab: {  	_ =	task [dreg:s7], $0x5FFFF  }
0xac: {  	[dreg:$0x1] =	wrdreg $0xFFFFFFFF  }
0xad: {  	[dreg:$0x0] =	wrdreg $0x60  }
0xae: {  	[dreg:$0x2] =	wrdreg s24  }
0xaf: {  	[dreg:$0x3] =	wrdreg s2  }
0xb0: {  	[dreg:$0x4] =	wrdreg $0x9  }
0xb1: {  	_ =	task.clear_ibuf [dreg:s7], $0x5FFFF;
	_ =	strace $0x90000046  }
0xb2: {  	s29 =	simm.s32 $0x9;
	_ =	strace $0x80000048  }
0xb3: {  	_ =	swait.ge [sflag:s29], $0x1  }
0xb4: {  	[sflag:s29] =	ssyncadd.s32 $0xFFFFFFFF  }
0xb5: {  	_ =	strace $0x90000048  }
0xb6: {  	_ =	sfence  }
0xb7: {  	s30 =	sld [smem:$0x0];
	_ =	sdelay $0x2  }
0xb8: {  	s31 =	sshll.u32 s1, $0xD;
	s1 =	sshrl.u32 s1, $0x2  }
0xb9: {  	s3 =	sand.u32 $0x4000, s31;
	s1 =	sadd.s32 s1, s30  }
0xba: {  	s0 =	sor.u32 s3, s0;
	s1 =	sshll.u32 s1, $0x11  }
0xbb: {  	s0 =	sor.u32 s1, s0  }
0xbc: {  	s0 =	sadd.s32 $0x8F2B, s0  }
0xbd: {  	[sflag:s0] =	ssyncadd.remote.s32 $0x1  }
0xbe: {  	_ =	sfence.sel $0xFFFF  }
0xbf: {  	[dreg:$0x0] =	wrdreg $0xFFFFFFFF;
	(pc) =	sbr.abs _section_cstart, $3  }
0xc0: {  	[dreg:$0x1] =	wrdreg $0xFFFFFFFF  }
0xc1: {  	_ =	task.clear_ibuf [dreg:s7], $0x2FFFF;
	_ =	strace $0x9FFFFFFF  }
0xc2: {  	(tm) =	ssettm $0x7FFFFFFF  }
0xc3: {  	_ =	shalt  }
tec
execute0_lowered:
.L_overlay_start_1:
0x0: {  	(tag) =	ssettag $0x1  }
0x1: {  	vm0 =	vcmask $0x1714;
	vm1 =	vcmask $0xB08  }
0x2: {  	vm2 =	vcmask $0x33C;
	vm3 =	vcmask $0x3B38;
	vm4 =	vcmask $0x73C  }
0x3: {  	v0 =	vimm.s32 $0xDA741EB8;
	v1 =	vimm.s32 $0x52FC9630;
	v2 =	vimm.s32 $0xEB852FC9  }
0x4: {  	v3 =	vimm.s32 $0x630DA741;
	vm5 =	vcmask $0x338;
	vm6 =	vcmask $0x2B24  }
0x5: {  	vm7 =	vmmov $0x1f;
	vm8 =	vcmask $0x2714;
	vm0 =	vmor vm1, vm0  }
0x6: {  	vm1 =	vcmask $0x2320;
	v0 =	vunpack.c.l.s4.s8 v0;
	v1 =	vunpack.c.l.s4.s8 v1  }
0x7: {  	v2 =	vunpack.c.l.s4.s8 v2;
	vm0 =	vmor vm0, vm1;
	vm1 =	vcmask $0x2F2C  }
0x8: {  	v3 =	vunpack.c.l.s4.s8 v3;
	vm0 =	vmor vm0, vm1;
	vm1 =	vcmask $0xF0C  }
0x9: {  	v0 =	vunpack.c.0.s8.s32 v0;
	v1 =	vunpack.c.0.s8.s32 v1;
	v2 =	vunpack.c.0.s8.s32 v2  }
0xa: {  	v3 =	vunpack.c.0.s8.s32 v3;
	vm1 =	vmor vm2, vm1;
	vm2 =	vcmask $0x1B18  }
0xb: {  	vm0 =	vmor vm0, vm3;
	vm3 =	vcmask $0x130C;
	vm1 =	vmor vm1, vm2  }
0xc: {  	vm2 =	vcmask $0x2724;
	vm3 =	vmor vm4, vm3;
	vm4 =	vcmask $0x1F18  }
0xd: {  	v0 =	vcombine.low v1, v0;
	v1 =	vcombine.low v3, v2;
	v2 =	vimm.s32 $0xFC9630DA  }
0xe: {  	s3 =	rddreg [dreg:$0x0];
	s1 =	srdreg.scid;
	v3 =	vimm.s32 $0x741EB852;
	vm1 =	vmor vm1, vm2;
	vm2 =	vcmask $0x3330  }
0xf: {  	s0 =	stileid.u32;
	s5 =	rddreg [dreg:$0x1];
	vm3 =	vmor vm3, vm4;
	vm4 =	vcmask $0xF08;
	v2 =	vunpack.c.l.s4.s8 v2  }
0x10: {  	s2 =	simm.s32 $0x0;
	s9 =	simm.s32 $0x1A00;
	s10 =	simm.s32 $0x0;
	v3 =	vunpack.c.l.s4.s8 v3;
	vm4 =	vmor vm5, vm4;
	vm5 =	vcmask $0x1B14  }
0x11: {  	s4 =	sand.u32 $0x1, s1;
	s6 =	sshll.u32 s0, $0x1;
	s1 =	rddreg [dreg:$0x2];
	vm3 =	vmor vm3, vm6;
	vm6 =	vcmask $0x3730;
	vm1 =	vmor vm1, vm2  }
0x12: {  	[smem:$0x7FF] =	sst s2;
	s6 =	sor.u32 s4, s6;
	s4 =	ssub.s32 $0x2, s4;
	v0 =	vand.u32 $0xF, v0;
	v2 =	vunpack.c.0.s8.s32 v2;
	v3 =	vunpack.c.0.s8.s32 v3  }
0x13: {  	s7 =	smul.u32 $0x240, s6;
	s8 =	sshrl.u32 s4, $0x1;
	s6 =	sshll.u32 s6, $0x6;
	v1 =	vand.u32 $0xF, v1;
	vm4 =	vmor vm4, vm5;
	vm5 =	vcmask $0x2720  }
0x14: {  	_ =	strace $0x80000047;
	s8 =	ssub.s32 s4, s8;
	s5 =	sadd.s32 s5, s6;
	vm4 =	vmor vm4, vm5;
	vm5 =	vcmask $0x332C;
	v2 =	vcombine.low v3, v2  }
0x15: {  	s7 =	sadd.s32 s7, s3;
	s3 =	sadd.s32 $0x4C00, s3;
	s6 =	smax.u32 s8, $0x1;
	vm2 =	vmor vm3, vm6;
	vm6 =	vcmask $0x2B14;
	vm3 =	vmor vm4, vm5  }
0x16: {  	s8 =	simm.s32 $0x1200;
	s4 =	sadd.s32 $0x400, s7;
	s7 =	simm.s32 $0x1;
	vm4 =	vcmask $0x2B18;
	vm5 =	vmmov $0x3f;
	v2 =	vand.u32 $0xF, v2  }
.LBB2_1:
0x17: {  	[tilespmem:s2], [sflag:$0x1] =	stream.linear.gather [hbm4b:s4+s2], $0x1200, $0x38;
	[tilespmem:$0x1C00] =	vst v63  }
0x18: {  	_ =	swait.ge [sflag:s7], $0x1200  }
0x19: {  	[sflag:s7] =	ssyncset.done $0x0  }
0x1a: {  	[sflag:s7] =	ssyncadd.s32 $0xFFFFEE00  }
0x1b: {  	[tilespmem:s8], [sflag:$0x1] =	stream.linear.gather [hbm4b:s3+s2], $0x480, $0x38;
	[tilespmem:$0x1C00] =	vst v63  }
0x1c: {  	_ =	swait.ge [sflag:s7], $0x480  }
0x1d: {  	[sflag:s7] =	ssyncset.done $0x0  }
0x1e: {  	[sflag:s7] =	ssyncadd.s32 $0xFFFFFB80  }
0x1f: {  	v10 =	vld [tilespmem:$0x1280]  }
0x20: {  	v11 =	vld [tilespmem:$0x1300]  }
0x21: {  	v13 =	vld [tilespmem:$0x1400]  }
0x22: {  	v14 =	vld [tilespmem:$0x1480]  }
0x23: {  	v15 =	vld [tilespmem:$0x1580]  }
0x24: {  	v16 =	vld [tilespmem:$0x1600]  }
0x25: {  	v9 =	vld [tilespmem:$0x1200]  }
0x26: {  	v12 =	vld [tilespmem:$0x1380]  }
0x27: {  	v17 =	vld [tilespmem:$0x1500];
	_ =	sdelay $0x1  }
0x28: {  	v3 =	vsel vm0, v11, v10;
	v4 =	vsel vm0, v14, v13;
	v5 =	vsel vm0, v16, v15  }
0x29: {  	v6 =	vsel vm1, v10, v11;
	v7 =	vsel vm1, v13, v14;
	v8 =	vsel vm1, v15, v16  }
0x2a: {  	v10 =	vsel vm1, v11, v10;
	v11 =	vsel vm1, v14, v13;
	v63 =	vsel vm1, v16, v15  }
0x2b: {  	v3 =	vsel vm1, v9, v3;
	v4 =	vsel vm1, v12, v4;
	v5 =	vsel vm1, v17, v5  }
0x2c: {  	v6 =	vsel vm2, v6, v9;
	v7 =	vsel vm2, v7, v12;
	v8 =	vsel vm2, v8, v17  }
0x2d: {  	s11 =	simm.s32 $0x240;
	s12 =	simm.s32 $0x0;
	v9 =	vsel vm3, v10, v9;
	v10 =	vsel vm3, v11, v12;
	v11 =	vsel vm3, v63, v17  }
.LBB2_2:
0x2e: {  	v12 =	vld [tilespmem:s11+$0xFFFFFDC0]  }
0x2f: {  	v13 =	vld [tilespmem:s11+$0xFFFFFF40]  }
0x30: {  	v14 =	vld [tilespmem:s11+$0xFFFFFDD0]  }
0x31: {  	v15 =	vld [tilespmem:s11+$0xFFFFFF50]  }
0x32: {  	v16 =	vld [tilespmem:s11+$0xFFFFFDE0]  }
0x33: {  	v17 =	vld [tilespmem:s11+$0xFFFFFF60]  }
0x34: {  	v18 =	vld [tilespmem:s11+$0xD0]  }
0x35: {  	v19 =	vld [tilespmem:s11+$0xE0]  }
0x36: {  	v20 =	vld [tilespmem:s11+$0xC0];
	v14 =	vmul.f32 v14, v6  }
0x37: {  	v15 =	vmul.f32 v15, v7;
	v16 =	vmul.f32 v16, v9  }
0x38: {  	v17 =	vmul.f32 v17, v10;
	v12 =	vmul.f32 v12, v3  }
0x39: {  	v13 =	vmul.f32 v13, v4;
	v62 =	vmul.f32 v18, v8;
	v14 =	vadd.f32 v15, v14  }
0x3a: {  	v63 =	vmul.f32 v19, v11;
	v16 =	vadd.f32 v17, v16  }
0x3b: {  	v21 =	vmul.f32 v20, v5;
	v12 =	vadd.f32 v13, v12;
	v14 =	vadd.f32 v62, v14  }
0x3c: {  	v22 =	vadd.f32 v63, v16  }
0x3d: {  	v12 =	vadd.f32 v21, v12;
	v23 =	vperm.xlane v14, v0  }
0x3e: {  	v16 =	vperm.xlane v22, v0;
	v24 =	vperm.xlane v14, v1  }
0x3f: {  	v25 =	vperm.xlane v22, v1;
	v26 =	vperm.xlane v12, v0  }
0x40: {  	v27 =	vperm.xlane v12, v1;
	v14 =	vperm.xlane v14, v2  }
0x41: {  	v15 =	vperm.xlane v22, v2;
	v13 =	vsel vm4, v23, v16;
	v17 =	vsel vm6, v24, v25  }
0x42: {  	v12 =	vperm.xlane v12, v2;
	v13 =	vsel vm5, v26, v13;
	v16 =	vsel vm7, v27, v17  }
0x43: {  	v14 =	vsel vm8, v14, v15;
	v13 =	vadd.f32 v16, v13  }
0x44: {  	v12 =	vsel vm7, v12, v14  }
0x45: {  	v12 =	vadd.f32 v12, v13  }
0x46: {  	s13 =	sshra.s32 s12, $0x2  }
0x47: {  	[tilespmem:s13+$0x1A00] =	vst v12  }
0x48: {  	v12 =	vld [tilespmem:s11+$0xFFFFFDF0]  }
0x49: {  	v28 =	vld [tilespmem:s11+$0xFFFFFF70]  }
0x4a: {  	v29 =	vld [tilespmem:s11+$0xFFFFFE00]  }
0x4b: {  	v30 =	vld [tilespmem:s11+$0xFFFFFF80]  }
0x4c: {  	v31 =	vld [tilespmem:s11+$0xFFFFFE10]  }
0x4d: {  	v32 =	vld [tilespmem:s11+$0xFFFFFF90]  }
0x4e: {  	v33 =	vld [tilespmem:s11+$0x100]  }
0x4f: {  	v34 =	vld [tilespmem:s11+$0x110]  }
0x50: {  	v35 =	vld [tilespmem:s11+$0xF0];
	v14 =	vmul.f32 v29, v6  }
0x51: {  	v15 =	vmul.f32 v30, v7;
	v16 =	vmul.f32 v31, v9  }
0x52: {  	v17 =	vmul.f32 v32, v10;
	v12 =	vmul.f32 v12, v3  }
0x53: {  	v13 =	vmul.f32 v28, v4;
	v36 =	vmul.f32 v33, v8;
	v14 =	vadd.f32 v15, v14  }
0x54: {  	v37 =	vmul.f32 v34, v11;
	v16 =	vadd.f32 v17, v16  }
0x55: {  	v38 =	vmul.f32 v35, v5;
	v12 =	vadd.f32 v13, v12;
	v14 =	vadd.f32 v36, v14  }
0x56: {  	v39 =	vadd.f32 v37, v16  }
0x57: {  	v12 =	vadd.f32 v38, v12;
	v40 =	vperm.xlane v14, v0  }
0x58: {  	v16 =	vperm.xlane v39, v0;
	v41 =	vperm.xlane v14, v1  }
0x59: {  	v42 =	vperm.xlane v39, v1;
	v43 =	vperm.xlane v12, v0  }
0x5a: {  	v44 =	vperm.xlane v12, v1;
	v14 =	vperm.xlane v14, v2  }
0x5b: {  	v15 =	vperm.xlane v39, v2;
	v13 =	vsel vm4, v40, v16;
	v17 =	vsel vm6, v41, v42  }
0x5c: {  	v12 =	vperm.xlane v12, v2;
	v13 =	vsel vm5, v43, v13;
	v16 =	vsel vm7, v44, v17  }
0x5d: {  	v14 =	vsel vm8, v14, v15;
	v13 =	vadd.f32 v16, v13  }
0x5e: {  	v12 =	vsel vm7, v12, v14  }
0x5f: {  	v12 =	vadd.f32 v12, v13;
	_ =	sdelay $0x1  }
0x60: {  	[tilespmem:s13+$0x1A10] =	vst v12  }
0x61: {  	v12 =	vld [tilespmem:s11+$0xFFFFFE20]  }
0x62: {  	v45 =	vld [tilespmem:s11+$0xFFFFFFA0]  }
0x63: {  	v46 =	vld [tilespmem:s11+$0xFFFFFE30]  }
0x64: {  	v47 =	vld [tilespmem:s11+$0xFFFFFFB0]  }
0x65: {  	v48 =	vld [tilespmem:s11+$0xFFFFFE40]  }
0x66: {  	v49 =	vld [tilespmem:s11+$0xFFFFFFC0]  }
0x67: {  	v50 =	vld [tilespmem:s11+$0x130]  }
0x68: {  	v51 =	vld [tilespmem:s11+$0x140]  }
0x69: {  	v52 =	vld [tilespmem:s11+$0x120];
	v14 =	vmul.f32 v46, v6  }
0x6a: {  	v15 =	vmul.f32 v47, v7;
	v16 =	vmul.f32 v48, v9  }
0x6b: {  	v17 =	vmul.f32 v49, v10;
	v12 =	vmul.f32 v12, v3  }
0x6c: {  	v13 =	vmul.f32 v45, v4;
	v53 =	vmul.f32 v50, v8;
	v14 =	vadd.f32 v15, v14  }
0x6d: {  	v54 =	vmul.f32 v51, v11;
	v16 =	vadd.f32 v17, v16  }
0x6e: {  	v55 =	vmul.f32 v52, v5;
	v12 =	vadd.f32 v13, v12;
	v14 =	vadd.f32 v53, v14  }
0x6f: {  	v56 =	vadd.f32 v54, v16  }
0x70: {  	v12 =	vadd.f32 v55, v12;
	v57 =	vperm.xlane v14, v0  }
0x71: {  	v16 =	vperm.xlane v56, v0;
	v58 =	vperm.xlane v14, v1  }
0x72: {  	v59 =	vperm.xlane v56, v1;
	v60 =	vperm.xlane v12, v0  }
0x73: {  	v61 =	vperm.xlane v12, v1;
	v14 =	vperm.xlane v14, v2  }
0x74: {  	v15 =	vperm.xlane v56, v2;
	v13 =	vsel vm4, v57, v16;
	v17 =	vsel vm6, v58, v59  }
0x75: {  	v12 =	vperm.xlane v12, v2;
	v13 =	vsel vm5, v60, v13;
	v16 =	vsel vm7, v61, v17  }
0x76: {  	v14 =	vsel vm8, v14, v15;
	v13 =	vadd.f32 v16, v13  }
0x77: {  	v12 =	vsel vm7, v12, v14  }
0x78: {  	v12 =	vadd.f32 v12, v13;
	_ =	sdelay $0x1  }
0x79: {  	[tilespmem:s13+$0x1A20] =	vst v12  }
0x7a: {  	v12 =	vld [tilespmem:s11+$0xFFFFFE50]  }
0x7b: {  	v62 =	vld [tilespmem:s11+$0xFFFFFFD0]  }
0x7c: {  	v63 =	vld [tilespmem:s11+$0xFFFFFE60]  }
0x7d: {  	v24 =	vld [tilespmem:s11+$0xFFFFFFE0]  }
0x7e: {  	v25 =	vld [tilespmem:s11+$0xFFFFFE70]  }
0x7f: {  	v26 =	vld [tilespmem:s11+$0xFFFFFFF0]  }
0x80: {  	v27 =	vld [tilespmem:s11+$0x160]  }
0x81: {  	v28 =	vld [tilespmem:s11+$0x170]  }
0x82: {  	v29 =	vld [tilespmem:s11+$0x150];
	v14 =	vmul.f32 v63, v6  }
0x83: {  	v15 =	vmul.f32 v24, v7;
	v16 =	vmul.f32 v25, v9  }
0x84: {  	v17 =	vmul.f32 v26, v10;
	v12 =	vmul.f32 v12, v3  }
0x85: {  	v13 =	vmul.f32 v62, v4;
	v30 =	vmul.f32 v27, v8;
	v14 =	vadd.f32 v15, v14  }
0x86: {  	v31 =	vmul.f32 v28, v11;
	v16 =	vadd.f32 v17, v16  }
0x87: {  	v32 =	vmul.f32 v29, v5;
	v12 =	vadd.f32 v13, v12;
	v14 =	vadd.f32 v30, v14  }
0x88: {  	v33 =	vadd.f32 v31, v16  }
0x89: {  	v12 =	vadd.f32 v32, v12;
	v34 =	vperm.xlane v14, v0  }
0x8a: {  	v16 =	vperm.xlane v33, v0;
	v35 =	vperm.xlane v14, v1  }
0x8b: {  	v36 =	vperm.xlane v33, v1;
	v37 =	vperm.xlane v12, v0  }
0x8c: {  	v38 =	vperm.xlane v12, v1;
	v14 =	vperm.xlane v14, v2  }
0x8d: {  	v15 =	vperm.xlane v33, v2;
	v13 =	vsel vm4, v34, v16;
	v17 =	vsel vm6, v35, v36  }
0x8e: {  	v12 =	vperm.xlane v12, v2;
	v13 =	vsel vm5, v37, v13;
	v16 =	vsel vm7, v38, v17  }
0x8f: {  	v14 =	vsel vm8, v14, v15;
	v13 =	vadd.f32 v16, v13  }
0x90: {  	v12 =	vsel vm7, v12, v14  }
0x91: {  	v12 =	vadd.f32 v12, v13;
	_ =	sdelay $0x1  }
0x92: {  	[tilespmem:s13+$0x1A30] =	vst v12  }
0x93: {  	v12 =	vld [tilespmem:s11+$0xFFFFFE80]  }
0x94: {  	v39 =	vld [tilespmem:s11+$0x0]  }
0x95: {  	v40 =	vld [tilespmem:s11+$0xFFFFFE90]  }
0x96: {  	v41 =	vld [tilespmem:s11+$0x10]  }
0x97: {  	v42 =	vld [tilespmem:s11+$0xFFFFFEA0]  }
0x98: {  	v43 =	vld [tilespmem:s11+$0x20]  }
0x99: {  	v44 =	vld [tilespmem:s11+$0x190]  }
0x9a: {  	v45 =	vld [tilespmem:s11+$0x1A0]  }
0x9b: {  	v46 =	vld [tilespmem:s11+$0x180];
	v14 =	vmul.f32 v40, v6  }
0x9c: {  	v15 =	vmul.f32 v41, v7;
	v16 =	vmul.f32 v42, v9  }
0x9d: {  	v17 =	vmul.f32 v43, v10;
	v12 =	vmul.f32 v12, v3  }
0x9e: {  	v13 =	vmul.f32 v39, v4;
	v47 =	vmul.f32 v44, v8;
	v14 =	vadd.f32 v15, v14  }
0x9f: {  	v48 =	vmul.f32 v45, v11;
	v16 =	vadd.f32 v17, v16  }
0xa0: {  	v49 =	vmul.f32 v46, v5;
	v12 =	vadd.f32 v13, v12;
	v14 =	vadd.f32 v47, v14  }
0xa1: {  	v50 =	vadd.f32 v48, v16  }
0xa2: {  	v12 =	vadd.f32 v49, v12;
	v51 =	vperm.xlane v14, v0  }
0xa3: {  	v16 =	vperm.xlane v50, v0;
	v52 =	vperm.xlane v14, v1  }
0xa4: {  	v53 =	vperm.xlane v50, v1;
	v54 =	vperm.xlane v12, v0  }
0xa5: {  	v55 =	vperm.xlane v12, v1;
	v14 =	vperm.xlane v14, v2  }
0xa6: {  	v15 =	vperm.xlane v50, v2;
	v13 =	vsel vm4, v51, v16;
	v17 =	vsel vm6, v52, v53  }
0xa7: {  	v12 =	vperm.xlane v12, v2;
	v13 =	vsel vm5, v54, v13;
	v16 =	vsel vm7, v55, v17  }
0xa8: {  	v14 =	vsel vm8, v14, v15;
	v13 =	vadd.f32 v16, v13  }
0xa9: {  	v12 =	vsel vm7, v12, v14  }
0xaa: {  	v12 =	vadd.f32 v12, v13;
	_ =	sdelay $0x1  }
0xab: {  	[tilespmem:s13+$0x1A40] =	vst v12  }
0xac: {  	v12 =	vld [tilespmem:s11+$0xFFFFFEB0]  }
0xad: {  	v56 =	vld [tilespmem:s11+$0x30]  }
0xae: {  	v57 =	vld [tilespmem:s11+$0xFFFFFEC0]  }
0xaf: {  	v58 =	vld [tilespmem:s11+$0x40]  }
0xb0: {  	v59 =	vld [tilespmem:s11+$0xFFFFFED0]  }
0xb1: {  	v60 =	vld [tilespmem:s11+$0x50]  }
0xb2: {  	v61 =	vld [tilespmem:s11+$0x1C0]  }
0xb3: {  	v62 =	vld [tilespmem:s11+$0x1D0]  }
0xb4: {  	v63 =	vld [tilespmem:s11+$0x1B0];
	v14 =	vmul.f32 v57, v6  }
0xb5: {  	v15 =	vmul.f32 v58, v7;
	v16 =	vmul.f32 v59, v9  }
0xb6: {  	v17 =	vmul.f32 v60, v10;
	v12 =	vmul.f32 v12, v3  }
0xb7: {  	v13 =	vmul.f32 v56, v4;
	v21 =	vmul.f32 v61, v8;
	v14 =	vadd.f32 v15, v14  }
0xb8: {  	v22 =	vmul.f32 v62, v11;
	v16 =	vadd.f32 v17, v16  }
0xb9: {  	v23 =	vmul.f32 v63, v5;
	v12 =	vadd.f32 v13, v12;
	v14 =	vadd.f32 v21, v14  }
0xba: {  	v24 =	vadd.f32 v22, v16  }
0xbb: {  	v12 =	vadd.f32 v23, v12;
	v25 =	vperm.xlane v14, v0  }
0xbc: {  	v16 =	vperm.xlane v24, v0;
	v26 =	vperm.xlane v14, v1  }
0xbd: {  	v27 =	vperm.xlane v24, v1;
	v28 =	vperm.xlane v12, v0  }
0xbe: {  	v29 =	vperm.xlane v12, v1;
	v14 =	vperm.xlane v14, v2  }
0xbf: {  	v15 =	vperm.xlane v24, v2;
	v13 =	vsel vm4, v25, v16;
	v17 =	vsel vm6, v26, v27  }
0xc0: {  	v12 =	vperm.xlane v12, v2;
	v13 =	vsel vm5, v28, v13;
	v16 =	vsel vm7, v29, v17  }
0xc1: {  	v14 =	vsel vm8, v14, v15;
	v13 =	vadd.f32 v16, v13  }
0xc2: {  	v12 =	vsel vm7, v12, v14  }
0xc3: {  	v12 =	vadd.f32 v12, v13;
	_ =	sdelay $0x1  }
0xc4: {  	[tilespmem:s13+$0x1A50] =	vst v12  }
0xc5: {  	v12 =	vld [tilespmem:s11+$0xFFFFFEE0]  }
0xc6: {  	v30 =	vld [tilespmem:s11+$0x60]  }
0xc7: {  	v31 =	vld [tilespmem:s11+$0xFFFFFEF0]  }
0xc8: {  	v32 =	vld [tilespmem:s11+$0x70]  }
0xc9: {  	v33 =	vld [tilespmem:s11+$0xFFFFFF00]  }
0xca: {  	v34 =	vld [tilespmem:s11+$0x80]  }
0xcb: {  	v35 =	vld [tilespmem:s11+$0x1F0]  }
0xcc: {  	v36 =	vld [tilespmem:s11+$0x200]  }
0xcd: {  	v37 =	vld [tilespmem:s11+$0x1E0];
	v14 =	vmul.f32 v31, v6  }
0xce: {  	v15 =	vmul.f32 v32, v7;
	v16 =	vmul.f32 v33, v9  }
0xcf: {  	v17 =	vmul.f32 v34, v10;
	v12 =	vmul.f32 v12, v3  }
0xd0: {  	v13 =	vmul.f32 v30, v4;
	v38 =	vmul.f32 v35, v8;
	v14 =	vadd.f32 v15, v14  }
0xd1: {  	v39 =	vmul.f32 v36, v11;
	v16 =	vadd.f32 v17, v16  }
0xd2: {  	v40 =	vmul.f32 v37, v5;
	v12 =	vadd.f32 v13, v12;
	v14 =	vadd.f32 v38, v14  }
0xd3: {  	v41 =	vadd.f32 v39, v16  }
0xd4: {  	v12 =	vadd.f32 v40, v12;
	v42 =	vperm.xlane v14, v0  }
0xd5: {  	v16 =	vperm.xlane v41, v0;
	v43 =	vperm.xlane v14, v1  }
0xd6: {  	v44 =	vperm.xlane v41, v1;
	v45 =	vperm.xlane v12, v0  }
0xd7: {  	v46 =	vperm.xlane v12, v1;
	v14 =	vperm.xlane v14, v2  }
0xd8: {  	v15 =	vperm.xlane v41, v2;
	v13 =	vsel vm4, v42, v16;
	v17 =	vsel vm6, v43, v44  }
0xd9: {  	v12 =	vperm.xlane v12, v2;
	v13 =	vsel vm5, v45, v13;
	v16 =	vsel vm7, v46, v17  }
0xda: {  	v14 =	vsel vm8, v14, v15;
	v13 =	vadd.f32 v16, v13  }
0xdb: {  	v12 =	vsel vm7, v12, v14  }
0xdc: {  	v12 =	vadd.f32 v12, v13;
	_ =	sdelay $0x1  }
0xdd: {  	[tilespmem:s13+$0x1A60] =	vst v12  }
0xde: {  	v12 =	vld [tilespmem:s11+$0xFFFFFF10]  }
0xdf: {  	v47 =	vld [tilespmem:s11+$0x90]  }
0xe0: {  	v48 =	vld [tilespmem:s11+$0xFFFFFF20]  }
0xe1: {  	v49 =	vld [tilespmem:s11+$0xA0]  }
0xe2: {  	v50 =	vld [tilespmem:s11+$0xFFFFFF30]  }
0xe3: {  	v51 =	vld [tilespmem:s11+$0xB0]  }
0xe4: {  	v52 =	vld [tilespmem:s11+$0x220]  }
0xe5: {  	v53 =	vld [tilespmem:s11+$0x230]  }
0xe6: {  	v54 =	vld [tilespmem:s11+$0x210];
	v14 =	vmul.f32 v48, v6  }
0xe7: {  	v15 =	vmul.f32 v49, v7;
	v16 =	vmul.f32 v50, v9  }
0xe8: {  	v17 =	vmul.f32 v51, v10;
	v12 =	vmul.f32 v12, v3  }
0xe9: {  	v13 =	vmul.f32 v47, v4;
	v55 =	vmul.f32 v52, v8;
	v14 =	vadd.f32 v15, v14  }
0xea: {  	v56 =	vmul.f32 v53, v11;
	v16 =	vadd.f32 v17, v16  }
0xeb: {  	v57 =	vmul.f32 v54, v5;
	v12 =	vadd.f32 v13, v12;
	v14 =	vadd.f32 v55, v14  }
0xec: {  	v58 =	vadd.f32 v56, v16  }
0xed: {  	v12 =	vadd.f32 v57, v12;
	v59 =	vperm.xlane v14, v0  }
0xee: {  	v16 =	vperm.xlane v58, v0;
	v60 =	vperm.xlane v14, v1  }
0xef: {  	v61 =	vperm.xlane v58, v1;
	v62 =	vperm.xlane v12, v0  }
0xf0: {  	v63 =	vperm.xlane v12, v1;
	v14 =	vperm.xlane v14, v2  }
0xf1: {  	v15 =	vperm.xlane v58, v2;
	v13 =	vsel vm4, v59, v16;
	v17 =	vsel vm6, v60, v61  }
0xf2: {  	p0 =	sne.s32 s12, $0x600;
	v12 =	vperm.xlane v12, v2;
	v13 =	vsel vm5, v62, v13;
	v16 =	vsel vm7, v63, v17  }
.Ltmp0:
0xf3: {  	v14 =	vsel vm8, v14, v15;
	v13 =	vadd.f32 v16, v13;
	(pc) =	sbr.rel @p0 .LBB2_2-.Ltmp0, $3  }
0xf4: {  	v12 =	vsel vm7, v12, v14  }
0xf5: {  	v12 =	vadd.f32 v12, v13;
	_ =	sdelay $0x1  }
0xf6: {  	s12 =	sadd.s32 $0x200, s12;
	s11 =	sadd.s32 $0x480, s11;
	[tilespmem:s13+$0x1A70] =	vst v12  }
0xf7: {  	s10 =	sadd.s32 $0x1, s10  }
0xf8: {  	p0 =	sne.s32 s10, s6  }
.Ltmp1:
0xf9: {  	_ = 	snop;
	(pc) =	sbr.rel @p0 .LBB2_1-.Ltmp1, $4  }
0xfa: {  	[hbm4b:s5+s2] =	stream.linear.scatter [tilespmem:s9], [sflag:$0x1], $0x200, $0x38;
	[tilespmem:$0x1C00] =	vst v63  }
0xfb: {  	_ =	swait.ge [sflag:s7], $0x200  }
0xfc: {  	[sflag:s7] =	ssyncset.done $0x0  }
0xfd: {  	[sflag:s7] =	ssyncadd.s32 $0xFFFFFE00  }
0xfe: {  	_ =	sfence.sel $0x180000  }
0xff: {  	[bflag:$0x0] =	sbarrier.arrive $0xFFFF  }
0x100: {  	p0 =	sne.s32 s0, $0x0;
	_ =	strace $0x90000047  }
0x101: {  	s0 =	sadd.s32 @!p0 $0x100000, s1;
	[bflag:$0x2] =	sbarrier.arrive $0xFFFF  }
0x102: {  	[sflag:s0] =	ssyncadd.tile.s32 @!p0 $0x1;
	_ =	shalt  }
.Lfunc_end2:
_tile_overlayer_lowered:
.L_overlay_start_2:
0x103: {  	(tag) =	ssettag $0x2  }
0x104: {  	s0 =	rddreg [dreg:$0x0];
	s2 =	stileid.u32  }
0x105: {  	s1 =	rddreg [dreg:$0x1];
	p0 =	sne.s32 s2, $0x0  }
0x106: {  	s3 =	rddreg [dreg:$0x2];
	[bflag:$0x3] =	sbarrier.arrive $0xFFFF;
	s2 =	simm.s32 @!p0 $0x1C01  }
0x107: {  	[timem:s3], [sflag:s2] =	dma.local @!p0 [hbm:s0], s1  }
0x108: {  	s0 =	simm.s32 @!p0 $0x1  }
0x109: {  	_ =	swait.ge @!p0 [sflag:s0], s1  }
0x10a: {  	s1 =	ssub.s32 @!p0 $0x0, s1;
	[sflag:s0] =	ssyncset.done @!p0 $0x0  }
0x10b: {  	[sflag:s0] =	ssyncadd.s32 @!p0 s1  }
0x10c: {  	[bflag:$0x3] =	sbarrier.arrive $0xFFFF  }
0x10d: {  	_ =	shalt  }

</sc_bundles>
